<compile_context>
chip_gen: v7x
topology: tpu7x:2x2x1
jax: 0.10.2.dev20260603
libtpu: 0.0.44.dev20260713+nightly
codegen_flags: <defaults>
</compile_context>

<pallas_src>
import functools

import jax
import jax.numpy as jnp
import numpy as np
from jax import lax
from jax.experimental import pallas as pl
from jax.experimental.pallas import tpu as pltpu
from jax.experimental.pallas import tpu_sc as plsc

N = 10000
E = 320000
D = 128
OUT = 128

NUM_CORES = 2
NUM_SUBCORES = 16
NUM_WORKERS = NUM_CORES * NUM_SUBCORES
CHUNK = 128
IDX_CH = 16
N_STAGES = 5
N_CHUNKS = N_STAGES * IDX_CH
E_PER_W = CHUNK * N_CHUNKS
N_REAL_CHUNKS = E // CHUNK
N_PAD = 10240
ROWS_PER_TILE = N_PAD // NUM_SUBCORES
LAST_W = NUM_WORKERS - 1
W31_REAL = N_REAL_CHUNKS - LAST_W * N_CHUNKS

_W31_PAD = np.stack([
    np.arange((N_CHUNKS - W31_REAL) * CHUNK) % N,
    N + np.arange((N_CHUNKS - W31_REAL) * CHUNK) % (N_PAD - N),
]).astype(np.int32).reshape(2, N_CHUNKS - W31_REAL, CHUNK)

_ZEROS = np.zeros((ROWS_PER_TILE, D), np.float32)


def _sc_aggregate(features, ei, w31, zeros):
    mesh = plsc.VectorSubcoreMesh(core_axis_name="c", subcore_axis_name="s")

    @functools.partial(
        pl.kernel,
        mesh=mesh,
        out_type=jax.ShapeDtypeStruct((NUM_CORES, N_PAD, D), jnp.float32),
        scratch_types=[
            pltpu.VMEM((2, 2, IDX_CH, CHUNK), jnp.int32),
            pltpu.VMEM((2, CHUNK, D), jnp.float32),
            pltpu.VMEM_SHARED((N_PAD, D), jnp.float32),
            pltpu.SemaphoreType.DMA,
            pltpu.SemaphoreType.DMA,
            pltpu.SemaphoreType.DMA,
            pltpu.SemaphoreType.DMA,
        ],
    )
    def agg(features_hbm, ei_hbm, w31_hbm, zeros_hbm, out_hbm,
            idx_v, rows_v, acc_sh, sem_ga, sem_gb, sem_i, sem_z):
        rows_a = rows_v.at[0]
        rows_b = rows_v.at[1]
        c = lax.axis_index("c")
        s = lax.axis_index("s")
        wid = c * NUM_SUBCORES + s

        def start_gather(j, buf, sem):
            src_row = idx_v.at[(j // IDX_CH) % 2, 0, j % IDX_CH]
            pltpu.make_async_copy(features_hbm.at[src_row], buf, sem).start()

        def wait_dma(buf, sem):
            pltpu.make_async_copy(features_hbm.at[idx_v.at[0, 0, 0]], buf, sem).wait()

        def scatter_add(j, buf):
            dst_row = idx_v.at[(j // IDX_CH) % 2, 1, j % IDX_CH]
            pltpu.sync_copy(buf, acc_sh.at[dst_row], add=True)

        def start_idx_load(stage, buf):
            @pl.when(wid < LAST_W)
            def _():
                base = wid * N_CHUNKS + stage * IDX_CH
                pltpu.make_async_copy(ei_hbm.at[0, pl.ds(base, IDX_CH)], idx_v.at[buf, 0], sem_i).start()
                pltpu.make_async_copy(ei_hbm.at[1, pl.ds(base, IDX_CH)], idx_v.at[buf, 1], sem_i).start()

            @pl.when(wid == LAST_W)
            def _():
                pltpu.make_async_copy(w31_hbm.at[0, stage], idx_v.at[buf, 0], sem_i).start()
                pltpu.make_async_copy(w31_hbm.at[1, stage], idx_v.at[buf, 1], sem_i).start()

        def wait_idx_load():
            pltpu.make_async_copy(w31_hbm.at[0, 0], idx_v.at[0], sem_i).wait()

        zero_slice = acc_sh.at[pl.ds(s * ROWS_PER_TILE, ROWS_PER_TILE)]
        pltpu.make_async_copy(zeros_hbm, zero_slice, sem_z).start()
        @pl.when(wid < LAST_W)
        def _():
            pltpu.sync_copy(ei_hbm.at[0, pl.ds(wid * N_CHUNKS, IDX_CH)], idx_v.at[0, 0])
            pltpu.sync_copy(ei_hbm.at[1, pl.ds(wid * N_CHUNKS, IDX_CH)], idx_v.at[0, 1])

        @pl.when(wid == LAST_W)
        def _():
            pltpu.sync_copy(w31_hbm.at[0, 0], idx_v.at[0, 0])
            pltpu.sync_copy(w31_hbm.at[1, 0], idx_v.at[0, 1])

        start_idx_load(1, 1)
        start_gather(0, rows_a, sem_ga)
        start_gather(1, rows_b, sem_gb)
        pltpu.make_async_copy(zeros_hbm, zero_slice, sem_z).wait()
        plsc.subcore_barrier()

        def body(i, carry):
            j0 = 2 * i
            stg = j0 // IDX_CH

            @pl.when(j0 % IDX_CH == IDX_CH - 2)
            def _():
                wait_idx_load()

            wait_dma(rows_a, sem_ga)
            scatter_add(j0, rows_a)
            start_gather(j0 + 2, rows_a, sem_ga)
            wait_dma(rows_b, sem_gb)
            scatter_add(j0 + 1, rows_b)

            @pl.when((j0 % IDX_CH == IDX_CH - 2) & (stg + 2 < N_STAGES))
            def _():
                start_idx_load(stg + 2, stg % 2)

            start_gather(j0 + 3, rows_b, sem_gb)
            return carry

        lax.fori_loop(0, N_CHUNKS // 2 - 1, body, 0)
        wait_dma(rows_a, sem_ga)
        scatter_add(N_CHUNKS - 2, rows_a)
        wait_dma(rows_b, sem_gb)
        scatter_add(N_CHUNKS - 1, rows_b)
        plsc.subcore_barrier()
        pltpu.sync_copy(
            acc_sh.at[pl.ds(s * ROWS_PER_TILE, ROWS_PER_TILE)],
            out_hbm.at[c, pl.ds(s * ROWS_PER_TILE, ROWS_PER_TILE)],
        )

    return agg(features, ei, w31, zeros)


def _tc_kernel(p_ref, w_ref, b_ref, o_ref):
    acc = p_ref[0] + p_ref[1]
    y = jnp.dot(acc, w_ref[...], preferred_element_type=jnp.float32)
    o_ref[...] = jnp.maximum(y + b_ref[...], 0.0)


def _tc_transform(partials, W, b):
    bn = 5000
    grid = (N // bn,)
    return pl.pallas_call(
        _tc_kernel,
        grid=grid,
        in_specs=[
            pl.BlockSpec((NUM_CORES, bn, D), lambda i: (0, i, 0)),
            pl.BlockSpec((D, OUT), lambda i: (0, 0)),
            pl.BlockSpec((1, OUT), lambda i: (0, 0)),
        ],
        out_specs=pl.BlockSpec((bn, OUT), lambda i: (i, 0)),
        out_shape=jax.ShapeDtypeStruct((N, OUT), jnp.float32),
    )(partials, W, b)


def kernel(features, edge_index, W, b):
    ei = edge_index.astype(jnp.int32)
    w31 = jnp.concatenate(
        [ei[:, LAST_W * E_PER_W:].reshape(2, W31_REAL, CHUNK), jnp.asarray(_W31_PAD)],
        axis=1,
    ).reshape(2, N_STAGES, IDX_CH, CHUNK)
    ei = ei.reshape(2, N_REAL_CHUNKS, CHUNK)
    zeros = jnp.asarray(_ZEROS)
    partials = _sc_aggregate(features, ei, w31, zeros)
    return _tc_transform(partials, W, b)

# --- scband reference (transcript-rebuilt; emitter-appended) ---
"""Pipeline reference for scband-gcnlayer-1683627180107 (READ-ONLY COPY).

The authoritative reference and input builder live on the scoring server;
editing this copy changes nothing except your own understanding.
"""

import jax, jax.numpy as jnp
import numpy as np

N = 10000
E = 320000
D = 128
OUT = 128


def setup_inputs(seed: int = 0) -> dict:
    key = jax.random.key(seed)
    k1, k2, k3 = jax.random.split(key, 3)
    features = jax.random.normal(k1, (N, D), dtype=jnp.float32)
    edge_index = jax.random.randint(k2, (2, E), 0, N).astype(jnp.int64)
    # learned parameters per __build__: W [in, out], b [1, out] (zero init)
    W = jax.random.normal(k3, (D, OUT), dtype=jnp.float32) * 0.05
    b = jnp.zeros((1, OUT), dtype=jnp.float32)
    return {"features": features, "edge_index": edge_index, "W": W, "b": b}


def reference(features, edge_index, W, b):
    # sparse_dense_matmul(adjacency, features) with unweighted adjacency
    # == scatter-add of source node features into destination nodes
    src = edge_index[0]
    dst = edge_index[1]
    gathered = jnp.take(features, src, axis=0)          # gather  [E, D]
    aggregated = jax.ops.segment_sum(gathered, dst, num_segments=N)  # scatter-add [N, D]
    # dense transform + bias + relu (dropout=0, graph_dropout=0 -> identity)
    out = jax.nn.relu(jnp.matmul(aggregated, W) + b)
    return out

if __name__ == "__main__":
    import jax
    _d = setup_inputs()
    print(jax.jit(kernel)(*tuple(_d.values())))

</pallas_src>

<mosaic_0001>
#map = affine_map<(d0, d1) -> (0, 0)>
#map1 = affine_map<(d0, d1) -> (0, 0, 0)>
#map2 = affine_map<(d0, d1) -> (0, 0, 0, 0)>
module attributes {stable_mosaic.version = 14 : i64} {
  func.func @agg(%arg0: i32, %arg1: i32, %arg2: memref<10000x128xf32, #tpu.memory_space<hbm>>, %arg3: memref<2x2500x128xi32, #tpu.memory_space<hbm>>, %arg4: memref<2x5x16x128xi32, #tpu.memory_space<hbm>>, %arg5: memref<640x128xf32, #tpu.memory_space<hbm>>, %arg6: memref<2x10240x128xf32, #tpu.memory_space<hbm>>, %arg7: memref<2x2x16x128xi32, #tpu.memory_space<vmem>>, %arg8: memref<2x128x128xf32, #tpu.memory_space<vmem>>, %arg9: memref<10240x128xf32, #tpu.memory_space<vmem_shared>>, %arg10: memref<!tpu.dma_semaphore, #tpu.memory_space<semaphore_mem>>, %arg11: memref<!tpu.dma_semaphore, #tpu.memory_space<semaphore_mem>>, %arg12: memref<!tpu.dma_semaphore, #tpu.memory_space<semaphore_mem>>, %arg13: memref<!tpu.dma_semaphore, #tpu.memory_space<semaphore_mem>>) attributes {dimension_semantics = [#tpu.dimension_semantics<core_parallel>, #tpu.dimension_semantics<subcore_parallel>], iteration_bounds = array<i64: 2, 16>, scalar_prefetch = 0 : i64, scratch_operands = 7 : i64, tpu.core_type = #tpu.core_type<sc_vector_subcore>, window_params = [{transform_indices = #map}, {transform_indices = #map1}, {transform_indices = #map2}, {transform_indices = #map}, {transform_indices = #map1}]} {
    %mul3A = arith.constant 16 : i32
    %mul3A_0 = arith.muli %arg0, %mul3A : i32
    %add3A = arith.addi %mul3A_0, %arg1 : i32
    %mul3A_1 = arith.constant 640 : i32
    %mul3A_2 = arith.muli %arg1, %mul3A_1 : i32
    %dma_start3A = arith.constant 0 : i32
    %dma_start3A_3 = tpu.memref_slice %arg9[%mul3A_2, %dma_start3A] : memref<10240x128xf32, #tpu.memory_space<vmem_shared>> -> memref<640x128xf32, #tpu.memory_space<vmem_shared>>
    tpu.enqueue_dma source(%arg5 : memref<640x128xf32, #tpu.memory_space<hbm>>) target(%dma_start3A_3 : memref<640x128xf32, #tpu.memory_space<vmem_shared>>) target_semaphore(%arg13 : memref<!tpu.dma_semaphore, #tpu.memory_space<semaphore_mem>>)
    %lt3A = arith.constant 31 : i32
    %lt3A_4 = arith.cmpi slt, %add3A, %lt3A : i32
    %convert_element_type3A = arith.extui %lt3A_4 : i1 to i32
    %cond3A = arith.constant 0 : i32
    %cond3A_5 = arith.cmpi ne, %convert_element_type3A, %cond3A : i32
    scf.if %cond3A_5 {
      %mul3A_96 = arith.constant 80 : i32
      %mul3A_97 = arith.muli %add3A, %mul3A_96 : i32
      %run_scoped3A_98 = arith.constant 0 : i32
      %run_scoped3A_99 = arith.constant 0 : i32
      %run_scoped3A_100 = arith.constant 0 : i32
      "tpu.region"() ({
        %run_scoped3A_106 = tpu.sem_alloc : memref<!tpu.dma_semaphore, #tpu.memory_space<semaphore_mem>>
        %dma_start3A_107 = arith.constant 0 : i32
        %dma_start3A_108 = arith.constant 0 : i32
        %dma_start3A_109 = tpu.memref_slice %arg7[%run_scoped3A_99, %run_scoped3A_100, %dma_start3A_107, %dma_start3A_108] : memref<2x2x16x128xi32, #tpu.memory_space<vmem>> -> memref<1x1x16x128xi32, #tpu.memory_space<vmem>>
        %dma_start3A_110 = tpu.memref_squeeze %dma_start3A_109 : memref<1x1x16x128xi32, #tpu.memory_space<vmem>> -> memref<16x128xi32, #tpu.memory_space<vmem>>
        %dma_start3A_111 = arith.constant 0 : i32
        %dma_start3A_112 = tpu.memref_slice %arg3[%run_scoped3A_98, %mul3A_97, %dma_start3A_111] : memref<2x2500x128xi32, #tpu.memory_space<hbm>> -> memref<1x16x128xi32, #tpu.memory_space<hbm>>
        %dma_start3A_113 = tpu.memref_squeeze %dma_start3A_112 : memref<1x16x128xi32, #tpu.memory_space<hbm>> -> memref<16x128xi32, #tpu.memory_space<hbm>>
        %dma_start3A_114 = arith.constant 0 : i32
        %dma_start3A_115 = arith.constant 0 : i32
        %dma_start3A_116 = tpu.memref_slice %arg7[%run_scoped3A_99, %run_scoped3A_100, %dma_start3A_114, %dma_start3A_115] : memref<2x2x16x128xi32, #tpu.memory_space<vmem>> -> memref<1x1x16x128xi32, #tpu.memory_space<vmem>>
        %dma_start3A_117 = tpu.memref_squeeze %dma_start3A_116 : memref<1x1x16x128xi32, #tpu.memory_space<vmem>> -> memref<16x128xi32, #tpu.memory_space<vmem>>
        %dma_start3A_118 = arith.constant 0 : i32
        %dma_start3A_119 = tpu.memref_slice %arg3[%run_scoped3A_98, %mul3A_97, %dma_start3A_118] : memref<2x2500x128xi32, #tpu.memory_space<hbm>> -> memref<1x16x128xi32, #tpu.memory_space<hbm>>
        %dma_start3A_120 = tpu.memref_squeeze %dma_start3A_119 : memref<1x16x128xi32, #tpu.memory_space<hbm>> -> memref<16x128xi32, #tpu.memory_space<hbm>>
        tpu.enqueue_dma source(%dma_start3A_120 : memref<16x128xi32, #tpu.memory_space<hbm>>) target(%dma_start3A_117 : memref<16x128xi32, #tpu.memory_space<vmem>>) target_semaphore(%run_scoped3A_106 : memref<!tpu.dma_semaphore, #tpu.memory_space<semaphore_mem>>)
        %dma_wait3A_121 = arith.constant 0 : i32
        %dma_wait3A_122 = arith.constant 0 : i32
        %dma_wait3A_123 = tpu.memref_slice %arg7[%run_scoped3A_99, %run_scoped3A_100, %dma_wait3A_121, %dma_wait3A_122] : memref<2x2x16x128xi32, #tpu.memory_space<vmem>> -> memref<1x1x16x128xi32, #tpu.memory_space<vmem>>
        %dma_wait3A_124 = tpu.memref_squeeze %dma_wait3A_123 : memref<1x1x16x128xi32, #tpu.memory_space<vmem>> -> memref<16x128xi32, #tpu.memory_space<vmem>>
        %dma_wait3A_125 = arith.constant 0 : i32
        %dma_wait3A_126 = tpu.memref_slice %arg3[%run_scoped3A_98, %mul3A_97, %dma_wait3A_125] : memref<2x2500x128xi32, #tpu.memory_space<hbm>> -> memref<1x16x128xi32, #tpu.memory_space<hbm>>
        %dma_wait3A_127 = tpu.memref_squeeze %dma_wait3A_126 : memref<1x16x128xi32, #tpu.memory_space<hbm>> -> memref<16x128xi32, #tpu.memory_space<hbm>>
        %dma_wait3A_128 = arith.constant 0 : i32
        %dma_wait3A_129 = arith.constant 0 : i32
        %dma_wait3A_130 = tpu.memref_slice %arg7[%run_scoped3A_99, %run_scoped3A_100, %dma_wait3A_128, %dma_wait3A_129] : memref<2x2x16x128xi32, #tpu.memory_space<vmem>> -> memref<1x1x16x128xi32, #tpu.memory_space<vmem>>
        %dma_wait3A_131 = tpu.memref_squeeze %dma_wait3A_130 : memref<1x1x16x128xi32, #tpu.memory_space<vmem>> -> memref<16x128xi32, #tpu.memory_space<vmem>>
        %dma_wait3A_132 = arith.constant 0 : i32
        %dma_wait3A_133 = tpu.memref_slice %arg3[%run_scoped3A_98, %mul3A_97, %dma_wait3A_132] : memref<2x2500x128xi32, #tpu.memory_space<hbm>> -> memref<1x16x128xi32, #tpu.memory_space<hbm>>
        %dma_wait3A_134 = tpu.memref_squeeze %dma_wait3A_133 : memref<1x16x128xi32, #tpu.memory_space<hbm>> -> memref<16x128xi32, #tpu.memory_space<hbm>>
        tpu.wait_dma2 semaphore(%run_scoped3A_106 : memref<!tpu.dma_semaphore, #tpu.memory_space<semaphore_mem>>) src(%dma_wait3A_134 : memref<16x128xi32, #tpu.memory_space<hbm>>) dst(%dma_wait3A_131 : memref<16x128xi32, #tpu.memory_space<vmem>>)
        tpu.yield
      }) : () -> ()
      %mul3A_101 = arith.constant 80 : i32
      %mul3A_102 = arith.muli %add3A, %mul3A_101 : i32
      %run_scoped3A_103 = arith.constant 1 : i32
      %run_scoped3A_104 = arith.constant 0 : i32
      %run_scoped3A_105 = arith.constant 1 : i32
      "tpu.region"() ({
        %run_scoped3A_106 = tpu.sem_alloc : memref<!tpu.dma_semaphore, #tpu.memory_space<semaphore_mem>>
        %dma_start3A_107 = arith.constant 0 : i32
        %dma_start3A_108 = arith.constant 0 : i32
        %dma_start3A_109 = tpu.memref_slice %arg7[%run_scoped3A_104, %run_scoped3A_105, %dma_start3A_107, %dma_start3A_108] : memref<2x2x16x128xi32, #tpu.memory_space<vmem>> -> memref<1x1x16x128xi32, #tpu.memory_space<vmem>>
        %dma_start3A_110 = tpu.memref_squeeze %dma_start3A_109 : memref<1x1x16x128xi32, #tpu.memory_space<vmem>> -> memref<16x128xi32, #tpu.memory_space<vmem>>
        %dma_start3A_111 = arith.constant 0 : i32
        %dma_start3A_112 = tpu.memref_slice %arg3[%run_scoped3A_103, %mul3A_102, %dma_start3A_111] : memref<2x2500x128xi32, #tpu.memory_space<hbm>> -> memref<1x16x128xi32, #tpu.memory_space<hbm>>
        %dma_start3A_113 = tpu.memref_squeeze %dma_start3A_112 : memref<1x16x128xi32, #tpu.memory_space<hbm>> -> memref<16x128xi32, #tpu.memory_space<hbm>>
        %dma_start3A_114 = arith.constant 0 : i32
        %dma_start3A_115 = arith.constant 0 : i32
        %dma_start3A_116 = tpu.memref_slice %arg7[%run_scoped3A_104, %run_scoped3A_105, %dma_start3A_114, %dma_start3A_115] : memref<2x2x16x128xi32, #tpu.memory_space<vmem>> -> memref<1x1x16x128xi32, #tpu.memory_space<vmem>>
        %dma_start3A_117 = tpu.memref_squeeze %dma_start3A_116 : memref<1x1x16x128xi32, #tpu.memory_space<vmem>> -> memref<16x128xi32, #tpu.memory_space<vmem>>
        %dma_start3A_118 = arith.constant 0 : i32
        %dma_start3A_119 = tpu.memref_slice %arg3[%run_scoped3A_103, %mul3A_102, %dma_start3A_118] : memref<2x2500x128xi32, #tpu.memory_space<hbm>> -> memref<1x16x128xi32, #tpu.memory_space<hbm>>
        %dma_start3A_120 = tpu.memref_squeeze %dma_start3A_119 : memref<1x16x128xi32, #tpu.memory_space<hbm>> -> memref<16x128xi32, #tpu.memory_space<hbm>>
        tpu.enqueue_dma source(%dma_start3A_120 : memref<16x128xi32, #tpu.memory_space<hbm>>) target(%dma_start3A_117 : memref<16x128xi32, #tpu.memory_space<vmem>>) target_semaphore(%run_scoped3A_106 : memref<!tpu.dma_semaphore, #tpu.memory_space<semaphore_mem>>)
        %dma_wait3A_121 = arith.constant 0 : i32
        %dma_wait3A_122 = arith.constant 0 : i32
        %dma_wait3A_123 = tpu.memref_slice %arg7[%run_scoped3A_104, %run_scoped3A_105, %dma_wait3A_121, %dma_wait3A_122] : memref<2x2x16x128xi32, #tpu.memory_space<vmem>> -> memref<1x1x16x128xi32, #tpu.memory_space<vmem>>
        %dma_wait3A_124 = tpu.memref_squeeze %dma_wait3A_123 : memref<1x1x16x128xi32, #tpu.memory_space<vmem>> -> memref<16x128xi32, #tpu.memory_space<vmem>>
        %dma_wait3A_125 = arith.constant 0 : i32
        %dma_wait3A_126 = tpu.memref_slice %arg3[%run_scoped3A_103, %mul3A_102, %dma_wait3A_125] : memref<2x2500x128xi32, #tpu.memory_space<hbm>> -> memref<1x16x128xi32, #tpu.memory_space<hbm>>
        %dma_wait3A_127 = tpu.memref_squeeze %dma_wait3A_126 : memref<1x16x128xi32, #tpu.memory_space<hbm>> -> memref<16x128xi32, #tpu.memory_space<hbm>>
        %dma_wait3A_128 = arith.constant 0 : i32
        %dma_wait3A_129 = arith.constant 0 : i32
        %dma_wait3A_130 = tpu.memref_slice %arg7[%run_scoped3A_104, %run_scoped3A_105, %dma_wait3A_128, %dma_wait3A_129] : memref<2x2x16x128xi32, #tpu.memory_space<vmem>> -> memref<1x1x16x128xi32, #tpu.memory_space<vmem>>
        %dma_wait3A_131 = tpu.memref_squeeze %dma_wait3A_130 : memref<1x1x16x128xi32, #tpu.memory_space<vmem>> -> memref<16x128xi32, #tpu.memory_space<vmem>>
        %dma_wait3A_132 = arith.constant 0 : i32
        %dma_wait3A_133 = tpu.memref_slice %arg3[%run_scoped3A_103, %mul3A_102, %dma_wait3A_132] : memref<2x2500x128xi32, #tpu.memory_space<hbm>> -> memref<1x16x128xi32, #tpu.memory_space<hbm>>
        %dma_wait3A_134 = tpu.memref_squeeze %dma_wait3A_133 : memref<1x16x128xi32, #tpu.memory_space<hbm>> -> memref<16x128xi32, #tpu.memory_space<hbm>>
        tpu.wait_dma2 semaphore(%run_scoped3A_106 : memref<!tpu.dma_semaphore, #tpu.memory_space<semaphore_mem>>) src(%dma_wait3A_134 : memref<16x128xi32, #tpu.memory_space<hbm>>) dst(%dma_wait3A_131 : memref<16x128xi32, #tpu.memory_space<vmem>>)
        tpu.yield
      }) : () -> ()
    } else {
    }
    %eq3A = arith.constant 31 : i32
    %eq3A_6 = arith.cmpi eq, %add3A, %eq3A : i32
    %convert_element_type3A_7 = arith.extui %eq3A_6 : i1 to i32
    %cond3A_8 = arith.constant 0 : i32
    %cond3A_9 = arith.cmpi ne, %convert_element_type3A_7, %cond3A_8 : i32
    scf.if %cond3A_9 {
      %run_scoped3A_96 = arith.constant 0 : i32
      %run_scoped3A_97 = arith.constant 0 : i32
      %run_scoped3A_98 = arith.constant 0 : i32
      %run_scoped3A_99 = arith.constant 0 : i32
      "tpu.region"() ({
        %run_scoped3A_104 = tpu.sem_alloc : memref<!tpu.dma_semaphore, #tpu.memory_space<semaphore_mem>>
        %dma_start3A_105 = arith.constant 0 : i32
        %dma_start3A_106 = arith.constant 0 : i32
        %dma_start3A_107 = tpu.memref_slice %arg7[%run_scoped3A_98, %run_scoped3A_99, %dma_start3A_105, %dma_start3A_106] : memref<2x2x16x128xi32, #tpu.memory_space<vmem>> -> memref<1x1x16x128xi32, #tpu.memory_space<vmem>>
        %dma_start3A_108 = tpu.memref_squeeze %dma_start3A_107 : memref<1x1x16x128xi32, #tpu.memory_space<vmem>> -> memref<16x128xi32, #tpu.memory_space<vmem>>
        %dma_start3A_109 = arith.constant 0 : i32
        %dma_start3A_110 = arith.constant 0 : i32
        %dma_start3A_111 = tpu.memref_slice %arg4[%run_scoped3A_96, %run_scoped3A_97, %dma_start3A_109, %dma_start3A_110] : memref<2x5x16x128xi32, #tpu.memory_space<hbm>> -> memref<1x1x16x128xi32, #tpu.memory_space<hbm>>
        %dma_start3A_112 = tpu.memref_squeeze %dma_start3A_111 : memref<1x1x16x128xi32, #tpu.memory_space<hbm>> -> memref<16x128xi32, #tpu.memory_space<hbm>>
        %dma_start3A_113 = arith.constant 0 : i32
        %dma_start3A_114 = arith.constant 0 : i32
        %dma_start3A_115 = tpu.memref_slice %arg7[%run_scoped3A_98, %run_scoped3A_99, %dma_start3A_113, %dma_start3A_114] : memref<2x2x16x128xi32, #tpu.memory_space<vmem>> -> memref<1x1x16x128xi32, #tpu.memory_space<vmem>>
        %dma_start3A_116 = tpu.memref_squeeze %dma_start3A_115 : memref<1x1x16x128xi32, #tpu.memory_space<vmem>> -> memref<16x128xi32, #tpu.memory_space<vmem>>
        %dma_start3A_117 = arith.constant 0 : i32
        %dma_start3A_118 = arith.constant 0 : i32
        %dma_start3A_119 = tpu.memref_slice %arg4[%run_scoped3A_96, %run_scoped3A_97, %dma_start3A_117, %dma_start3A_118] : memref<2x5x16x128xi32, #tpu.memory_space<hbm>> -> memref<1x1x16x128xi32, #tpu.memory_space<hbm>>
        %dma_start3A_120 = tpu.memref_squeeze %dma_start3A_119 : memref<1x1x16x128xi32, #tpu.memory_space<hbm>> -> memref<16x128xi32, #tpu.memory_space<hbm>>
        tpu.enqueue_dma source(%dma_start3A_120 : memref<16x128xi32, #tpu.memory_space<hbm>>) target(%dma_start3A_116 : memref<16x128xi32, #tpu.memory_space<vmem>>) target_semaphore(%run_scoped3A_104 : memref<!tpu.dma_semaphore, #tpu.memory_space<semaphore_mem>>)
        %dma_wait3A_121 = arith.constant 0 : i32
        %dma_wait3A_122 = arith.constant 0 : i32
        %dma_wait3A_123 = tpu.memref_slice %arg7[%run_scoped3A_98, %run_scoped3A_99, %dma_wait3A_121, %dma_wait3A_122] : memref<2x2x16x128xi32, #tpu.memory_space<vmem>> -> memref<1x1x16x128xi32, #tpu.memory_space<vmem>>
        %dma_wait3A_124 = tpu.memref_squeeze %dma_wait3A_123 : memref<1x1x16x128xi32, #tpu.memory_space<vmem>> -> memref<16x128xi32, #tpu.memory_space<vmem>>
        %dma_wait3A_125 = arith.constant 0 : i32
        %dma_wait3A_126 = arith.constant 0 : i32
        %dma_wait3A_127 = tpu.memref_slice %arg4[%run_scoped3A_96, %run_scoped3A_97, %dma_wait3A_125, %dma_wait3A_126] : memref<2x5x16x128xi32, #tpu.memory_space<hbm>> -> memref<1x1x16x128xi32, #tpu.memory_space<hbm>>
        %dma_wait3A_128 = tpu.memref_squeeze %dma_wait3A_127 : memref<1x1x16x128xi32, #tpu.memory_space<hbm>> -> memref<16x128xi32, #tpu.memory_space<hbm>>
        %dma_wait3A_129 = arith.constant 0 : i32
        %dma_wait3A_130 = arith.constant 0 : i32
        %dma_wait3A_131 = tpu.memref_slice %arg7[%run_scoped3A_98, %run_scoped3A_99, %dma_wait3A_129, %dma_wait3A_130] : memref<2x2x16x128xi32, #tpu.memory_space<vmem>> -> memref<1x1x16x128xi32, #tpu.memory_space<vmem>>
        %dma_wait3A_132 = tpu.memref_squeeze %dma_wait3A_131 : memref<1x1x16x128xi32, #tpu.memory_space<vmem>> -> memref<16x128xi32, #tpu.memory_space<vmem>>
        %dma_wait3A_133 = arith.constant 0 : i32
        %dma_wait3A_134 = arith.constant 0 : i32
        %dma_wait3A_135 = tpu.memref_slice %arg4[%run_scoped3A_96, %run_scoped3A_97, %dma_wait3A_133, %dma_wait3A_134] : memref<2x5x16x128xi32, #tpu.memory_space<hbm>> -> memref<1x1x16x128xi32, #tpu.memory_space<hbm>>
        %dma_wait3A_136 = tpu.memref_squeeze %dma_wait3A_135 : memref<1x1x16x128xi32, #tpu.memory_space<hbm>> -> memref<16x128xi32, #tpu.memory_space<hbm>>
        tpu.wait_dma2 semaphore(%run_scoped3A_104 : memref<!tpu.dma_semaphore, #tpu.memory_space<semaphore_mem>>) src(%dma_wait3A_136 : memref<16x128xi32, #tpu.memory_space<hbm>>) dst(%dma_wait3A_132 : memref<16x128xi32, #tpu.memory_space<vmem>>)
        tpu.yield
      }) : () -> ()
      %run_scoped3A_100 = arith.constant 1 : i32
      %run_scoped3A_101 = arith.constant 0 : i32
      %run_scoped3A_102 = arith.constant 0 : i32
      %run_scoped3A_103 = arith.constant 1 : i32
      "tpu.region"() ({
        %run_scoped3A_104 = tpu.sem_alloc : memref<!tpu.dma_semaphore, #tpu.memory_space<semaphore_mem>>
        %dma_start3A_105 = arith.constant 0 : i32
        %dma_start3A_106 = arith.constant 0 : i32
        %dma_start3A_107 = tpu.memref_slice %arg7[%run_scoped3A_102, %run_scoped3A_103, %dma_start3A_105, %dma_start3A_106] : memref<2x2x16x128xi32, #tpu.memory_space<vmem>> -> memref<1x1x16x128xi32, #tpu.memory_space<vmem>>
        %dma_start3A_108 = tpu.memref_squeeze %dma_start3A_107 : memref<1x1x16x128xi32, #tpu.memory_space<vmem>> -> memref<16x128xi32, #tpu.memory_space<vmem>>
        %dma_start3A_109 = arith.constant 0 : i32
        %dma_start3A_110 = arith.constant 0 : i32
        %dma_start3A_111 = tpu.memref_slice %arg4[%run_scoped3A_100, %run_scoped3A_101, %dma_start3A_109, %dma_start3A_110] : memref<2x5x16x128xi32, #tpu.memory_space<hbm>> -> memref<1x1x16x128xi32, #tpu.memory_space<hbm>>
        %dma_start3A_112 = tpu.memref_squeeze %dma_start3A_111 : memref<1x1x16x128xi32, #tpu.memory_space<hbm>> -> memref<16x128xi32, #tpu.memory_space<hbm>>
        %dma_start3A_113 = arith.constant 0 : i32
        %dma_start3A_114 = arith.constant 0 : i32
        %dma_start3A_115 = tpu.memref_slice %arg7[%run_scoped3A_102, %run_scoped3A_103, %dma_start3A_113, %dma_start3A_114] : memref<2x2x16x128xi32, #tpu.memory_space<vmem>> -> memref<1x1x16x128xi32, #tpu.memory_space<vmem>>
        %dma_start3A_116 = tpu.memref_squeeze %dma_start3A_115 : memref<1x1x16x128xi32, #tpu.memory_space<vmem>> -> memref<16x128xi32, #tpu.memory_space<vmem>>
        %dma_start3A_117 = arith.constant 0 : i32
        %dma_start3A_118 = arith.constant 0 : i32
        %dma_start3A_119 = tpu.memref_slice %arg4[%run_scoped3A_100, %run_scoped3A_101, %dma_start3A_117, %dma_start3A_118] : memref<2x5x16x128xi32, #tpu.memory_space<hbm>> -> memref<1x1x16x128xi32, #tpu.memory_space<hbm>>
        %dma_start3A_120 = tpu.memref_squeeze %dma_start3A_119 : memref<1x1x16x128xi32, #tpu.memory_space<hbm>> -> memref<16x128xi32, #tpu.memory_space<hbm>>
        tpu.enqueue_dma source(%dma_start3A_120 : memref<16x128xi32, #tpu.memory_space<hbm>>) target(%dma_start3A_116 : memref<16x128xi32, #tpu.memory_space<vmem>>) target_semaphore(%run_scoped3A_104 : memref<!tpu.dma_semaphore, #tpu.memory_space<semaphore_mem>>)
        %dma_wait3A_121 = arith.constant 0 : i32
        %dma_wait3A_122 = arith.constant 0 : i32
        %dma_wait3A_123 = tpu.memref_slice %arg7[%run_scoped3A_102, %run_scoped3A_103, %dma_wait3A_121, %dma_wait3A_122] : memref<2x2x16x128xi32, #tpu.memory_space<vmem>> -> memref<1x1x16x128xi32, #tpu.memory_space<vmem>>
        %dma_wait3A_124 = tpu.memref_squeeze %dma_wait3A_123 : memref<1x1x16x128xi32, #tpu.memory_space<vmem>> -> memref<16x128xi32, #tpu.memory_space<vmem>>
        %dma_wait3A_125 = arith.constant 0 : i32
        %dma_wait3A_126 = arith.constant 0 : i32
        %dma_wait3A_127 = tpu.memref_slice %arg4[%run_scoped3A_100, %run_scoped3A_101, %dma_wait3A_125, %dma_wait3A_126] : memref<2x5x16x128xi32, #tpu.memory_space<hbm>> -> memref<1x1x16x128xi32, #tpu.memory_space<hbm>>
        %dma_wait3A_128 = tpu.memref_squeeze %dma_wait3A_127 : memref<1x1x16x128xi32, #tpu.memory_space<hbm>> -> memref<16x128xi32, #tpu.memory_space<hbm>>
        %dma_wait3A_129 = arith.constant 0 : i32
        %dma_wait3A_130 = arith.constant 0 : i32
        %dma_wait3A_131 = tpu.memref_slice %arg7[%run_scoped3A_102, %run_scoped3A_103, %dma_wait3A_129, %dma_wait3A_130] : memref<2x2x16x128xi32, #tpu.memory_space<vmem>> -> memref<1x1x16x128xi32, #tpu.memory_space<vmem>>
        %dma_wait3A_132 = tpu.memref_squeeze %dma_wait3A_131 : memref<1x1x16x128xi32, #tpu.memory_space<vmem>> -> memref<16x128xi32, #tpu.memory_space<vmem>>
        %dma_wait3A_133 = arith.constant 0 : i32
        %dma_wait3A_134 = arith.constant 0 : i32
        %dma_wait3A_135 = tpu.memref_slice %arg4[%run_scoped3A_100, %run_scoped3A_101, %dma_wait3A_133, %dma_wait3A_134] : memref<2x5x16x128xi32, #tpu.memory_space<hbm>> -> memref<1x1x16x128xi32, #tpu.memory_space<hbm>>
        %dma_wait3A_136 = tpu.memref_squeeze %dma_wait3A_135 : memref<1x1x16x128xi32, #tpu.memory_space<hbm>> -> memref<16x128xi32, #tpu.memory_space<hbm>>
        tpu.wait_dma2 semaphore(%run_scoped3A_104 : memref<!tpu.dma_semaphore, #tpu.memory_space<semaphore_mem>>) src(%dma_wait3A_136 : memref<16x128xi32, #tpu.memory_space<hbm>>) dst(%dma_wait3A_132 : memref<16x128xi32, #tpu.memory_space<vmem>>)
        tpu.yield
      }) : () -> ()
    } else {
    }
    %lt3A_10 = arith.constant 31 : i32
    %lt3A_11 = arith.cmpi slt, %add3A, %lt3A_10 : i32
    %convert_element_type3A_12 = arith.extui %lt3A_11 : i1 to i32
    %cond3A_13 = arith.constant 0 : i32
    %cond3A_14 = arith.cmpi ne, %convert_element_type3A_12, %cond3A_13 : i32
    scf.if %cond3A_14 {
      %mul3A_96 = arith.constant 80 : i32
      %mul3A_97 = arith.muli %add3A, %mul3A_96 : i32
      %add3A_98 = arith.constant 16 : i32
      %add3A_99 = arith.addi %mul3A_97, %add3A_98 : i32
      %dma_start3A_100 = arith.constant 0 : i32
      %dma_start3A_101 = arith.constant 1 : i32
      %dma_start3A_102 = arith.constant 0 : i32
      %dma_start3A_103 = arith.constant 0 : i32
      %dma_start3A_104 = arith.constant 0 : i32
      %dma_start3A_105 = tpu.memref_slice %arg7[%dma_start3A_101, %dma_start3A_102, %dma_start3A_103, %dma_start3A_104] : memref<2x2x16x128xi32, #tpu.memory_space<vmem>> -> memref<1x1x16x128xi32, #tpu.memory_space<vmem>>
      %dma_start3A_106 = tpu.memref_squeeze %dma_start3A_105 : memref<1x1x16x128xi32, #tpu.memory_space<vmem>> -> memref<16x128xi32, #tpu.memory_space<vmem>>
      %dma_start3A_107 = arith.constant 0 : i32
      %dma_start3A_108 = tpu.memref_slice %arg3[%dma_start3A_100, %add3A_99, %dma_start3A_107] : memref<2x2500x128xi32, #tpu.memory_space<hbm>> -> memref<1x16x128xi32, #tpu.memory_space<hbm>>
      %dma_start3A_109 = tpu.memref_squeeze %dma_start3A_108 : memref<1x16x128xi32, #tpu.memory_space<hbm>> -> memref<16x128xi32, #tpu.memory_space<hbm>>
      %dma_start3A_110 = arith.constant 0 : i32
      %dma_start3A_111 = arith.constant 0 : i32
      %dma_start3A_112 = tpu.memref_slice %arg7[%dma_start3A_101, %dma_start3A_102, %dma_start3A_110, %dma_start3A_111] : memref<2x2x16x128xi32, #tpu.memory_space<vmem>> -> memref<1x1x16x128xi32, #tpu.memory_space<vmem>>
      %dma_start3A_113 = tpu.memref_squeeze %dma_start3A_112 : memref<1x1x16x128xi32, #tpu.memory_space<vmem>> -> memref<16x128xi32, #tpu.memory_space<vmem>>
      %dma_start3A_114 = arith.constant 0 : i32
      %dma_start3A_115 = tpu.memref_slice %arg3[%dma_start3A_100, %add3A_99, %dma_start3A_114] : memref<2x2500x128xi32, #tpu.memory_space<hbm>> -> memref<1x16x128xi32, #tpu.memory_space<hbm>>
      %dma_start3A_116 = tpu.memref_squeeze %dma_start3A_115 : memref<1x16x128xi32, #tpu.memory_space<hbm>> -> memref<16x128xi32, #tpu.memory_space<hbm>>
      tpu.enqueue_dma source(%dma_start3A_116 : memref<16x128xi32, #tpu.memory_space<hbm>>) target(%dma_start3A_113 : memref<16x128xi32, #tpu.memory_space<vmem>>) target_semaphore(%arg12 : memref<!tpu.dma_semaphore, #tpu.memory_space<semaphore_mem>>)
      %dma_start3A_117 = arith.constant 1 : i32
      %dma_start3A_118 = arith.constant 1 : i32
      %dma_start3A_119 = arith.constant 1 : i32
      %dma_start3A_120 = arith.constant 0 : i32
      %dma_start3A_121 = arith.constant 0 : i32
      %dma_start3A_122 = tpu.memref_slice %arg7[%dma_start3A_118, %dma_start3A_119, %dma_start3A_120, %dma_start3A_121] : memref<2x2x16x128xi32, #tpu.memory_space<vmem>> -> memref<1x1x16x128xi32, #tpu.memory_space<vmem>>
      %dma_start3A_123 = tpu.memref_squeeze %dma_start3A_122 : memref<1x1x16x128xi32, #tpu.memory_space<vmem>> -> memref<16x128xi32, #tpu.memory_space<vmem>>
      %dma_start3A_124 = arith.constant 0 : i32
      %dma_start3A_125 = tpu.memref_slice %arg3[%dma_start3A_117, %add3A_99, %dma_start3A_124] : memref<2x2500x128xi32, #tpu.memory_space<hbm>> -> memref<1x16x128xi32, #tpu.memory_space<hbm>>
      %dma_start3A_126 = tpu.memref_squeeze %dma_start3A_125 : memref<1x16x128xi32, #tpu.memory_space<hbm>> -> memref<16x128xi32, #tpu.memory_space<hbm>>
      %dma_start3A_127 = arith.constant 0 : i32
      %dma_start3A_128 = arith.constant 0 : i32
      %dma_start3A_129 = tpu.memref_slice %arg7[%dma_start3A_118, %dma_start3A_119, %dma_start3A_127, %dma_start3A_128] : memref<2x2x16x128xi32, #tpu.memory_space<vmem>> -> memref<1x1x16x128xi32, #tpu.memory_space<vmem>>
      %dma_start3A_130 = tpu.memref_squeeze %dma_start3A_129 : memref<1x1x16x128xi32, #tpu.memory_space<vmem>> -> memref<16x128xi32, #tpu.memory_space<vmem>>
      %dma_start3A_131 = arith.constant 0 : i32
      %dma_start3A_132 = tpu.memref_slice %arg3[%dma_start3A_117, %add3A_99, %dma_start3A_131] : memref<2x2500x128xi32, #tpu.memory_space<hbm>> -> memref<1x16x128xi32, #tpu.memory_space<hbm>>
      %dma_start3A_133 = tpu.memref_squeeze %dma_start3A_132 : memref<1x16x128xi32, #tpu.memory_space<hbm>> -> memref<16x128xi32, #tpu.memory_space<hbm>>
      tpu.enqueue_dma source(%dma_start3A_133 : memref<16x128xi32, #tpu.memory_space<hbm>>) target(%dma_start3A_130 : memref<16x128xi32, #tpu.memory_space<vmem>>) target_semaphore(%arg12 : memref<!tpu.dma_semaphore, #tpu.memory_space<semaphore_mem>>)
    } else {
    }
    %eq3A_15 = arith.constant 31 : i32
    %eq3A_16 = arith.cmpi eq, %add3A, %eq3A_15 : i32
    %convert_element_type3A_17 = arith.extui %eq3A_16 : i1 to i32
    %cond3A_18 = arith.constant 0 : i32
    %cond3A_19 = arith.cmpi ne, %convert_element_type3A_17, %cond3A_18 : i32
    scf.if %cond3A_19 {
      %dma_start3A_96 = arith.constant 0 : i32
      %dma_start3A_97 = arith.constant 1 : i32
      %dma_start3A_98 = arith.constant 1 : i32
      %dma_start3A_99 = arith.constant 0 : i32
      %dma_start3A_100 = arith.constant 0 : i32
      %dma_start3A_101 = arith.constant 0 : i32
      %dma_start3A_102 = tpu.memref_slice %arg7[%dma_start3A_98, %dma_start3A_99, %dma_start3A_100, %dma_start3A_101] : memref<2x2x16x128xi32, #tpu.memory_space<vmem>> -> memref<1x1x16x128xi32, #tpu.memory_space<vmem>>
      %dma_start3A_103 = tpu.memref_squeeze %dma_start3A_102 : memref<1x1x16x128xi32, #tpu.memory_space<vmem>> -> memref<16x128xi32, #tpu.memory_space<vmem>>
      %dma_start3A_104 = arith.constant 0 : i32
      %dma_start3A_105 = arith.constant 0 : i32
      %dma_start3A_106 = tpu.memref_slice %arg4[%dma_start3A_96, %dma_start3A_97, %dma_start3A_104, %dma_start3A_105] : memref<2x5x16x128xi32, #tpu.memory_space<hbm>> -> memref<1x1x16x128xi32, #tpu.memory_space<hbm>>
      %dma_start3A_107 = tpu.memref_squeeze %dma_start3A_106 : memref<1x1x16x128xi32, #tpu.memory_space<hbm>> -> memref<16x128xi32, #tpu.memory_space<hbm>>
      %dma_start3A_108 = arith.constant 0 : i32
      %dma_start3A_109 = arith.constant 0 : i32
      %dma_start3A_110 = tpu.memref_slice %arg7[%dma_start3A_98, %dma_start3A_99, %dma_start3A_108, %dma_start3A_109] : memref<2x2x16x128xi32, #tpu.memory_space<vmem>> -> memref<1x1x16x128xi32, #tpu.memory_space<vmem>>
      %dma_start3A_111 = tpu.memref_squeeze %dma_start3A_110 : memref<1x1x16x128xi32, #tpu.memory_space<vmem>> -> memref<16x128xi32, #tpu.memory_space<vmem>>
      %dma_start3A_112 = arith.constant 0 : i32
      %dma_start3A_113 = arith.constant 0 : i32
      %dma_start3A_114 = tpu.memref_slice %arg4[%dma_start3A_96, %dma_start3A_97, %dma_start3A_112, %dma_start3A_113] : memref<2x5x16x128xi32, #tpu.memory_space<hbm>> -> memref<1x1x16x128xi32, #tpu.memory_space<hbm>>
      %dma_start3A_115 = tpu.memref_squeeze %dma_start3A_114 : memref<1x1x16x128xi32, #tpu.memory_space<hbm>> -> memref<16x128xi32, #tpu.memory_space<hbm>>
      tpu.enqueue_dma source(%dma_start3A_115 : memref<16x128xi32, #tpu.memory_space<hbm>>) target(%dma_start3A_111 : memref<16x128xi32, #tpu.memory_space<vmem>>) target_semaphore(%arg12 : memref<!tpu.dma_semaphore, #tpu.memory_space<semaphore_mem>>)
      %dma_start3A_116 = arith.constant 1 : i32
      %dma_start3A_117 = arith.constant 1 : i32
      %dma_start3A_118 = arith.constant 1 : i32
      %dma_start3A_119 = arith.constant 1 : i32
      %dma_start3A_120 = arith.constant 0 : i32
      %dma_start3A_121 = arith.constant 0 : i32
      %dma_start3A_122 = tpu.memref_slice %arg7[%dma_start3A_118, %dma_start3A_119, %dma_start3A_120, %dma_start3A_121] : memref<2x2x16x128xi32, #tpu.memory_space<vmem>> -> memref<1x1x16x128xi32, #tpu.memory_space<vmem>>
      %dma_start3A_123 = tpu.memref_squeeze %dma_start3A_122 : memref<1x1x16x128xi32, #tpu.memory_space<vmem>> -> memref<16x128xi32, #tpu.memory_space<vmem>>
      %dma_start3A_124 = arith.constant 0 : i32
      %dma_start3A_125 = arith.constant 0 : i32
      %dma_start3A_126 = tpu.memref_slice %arg4[%dma_start3A_116, %dma_start3A_117, %dma_start3A_124, %dma_start3A_125] : memref<2x5x16x128xi32, #tpu.memory_space<hbm>> -> memref<1x1x16x128xi32, #tpu.memory_space<hbm>>
      %dma_start3A_127 = tpu.memref_squeeze %dma_start3A_126 : memref<1x1x16x128xi32, #tpu.memory_space<hbm>> -> memref<16x128xi32, #tpu.memory_space<hbm>>
      %dma_start3A_128 = arith.constant 0 : i32
      %dma_start3A_129 = arith.constant 0 : i32
      %dma_start3A_130 = tpu.memref_slice %arg7[%dma_start3A_118, %dma_start3A_119, %dma_start3A_128, %dma_start3A_129] : memref<2x2x16x128xi32, #tpu.memory_space<vmem>> -> memref<1x1x16x128xi32, #tpu.memory_space<vmem>>
      %dma_start3A_131 = tpu.memref_squeeze %dma_start3A_130 : memref<1x1x16x128xi32, #tpu.memory_space<vmem>> -> memref<16x128xi32, #tpu.memory_space<vmem>>
      %dma_start3A_132 = arith.constant 0 : i32
      %dma_start3A_133 = arith.constant 0 : i32
      %dma_start3A_134 = tpu.memref_slice %arg4[%dma_start3A_116, %dma_start3A_117, %dma_start3A_132, %dma_start3A_133] : memref<2x5x16x128xi32, #tpu.memory_space<hbm>> -> memref<1x1x16x128xi32, #tpu.memory_space<hbm>>
      %dma_start3A_135 = tpu.memref_squeeze %dma_start3A_134 : memref<1x1x16x128xi32, #tpu.memory_space<hbm>> -> memref<16x128xi32, #tpu.memory_space<hbm>>
      tpu.enqueue_dma source(%dma_start3A_135 : memref<16x128xi32, #tpu.memory_space<hbm>>) target(%dma_start3A_131 : memref<16x128xi32, #tpu.memory_space<vmem>>) target_semaphore(%arg12 : memref<!tpu.dma_semaphore, #tpu.memory_space<semaphore_mem>>)
    } else {
    }
    %dma_start3A_20 = arith.constant 0 : i32
    %dma_start3A_21 = arith.constant 0 : i32
    %dma_start3A_22 = arith.constant 0 : i32
    %dma_start3A_23 = arith.constant 0 : i32
    %dma_start3A_24 = arith.constant 0 : i32
    %dma_start3A_25 = arith.constant 0 : i32
    %dma_start3A_26 = tpu.memref_slice %arg8[%dma_start3A_23, %dma_start3A_24, %dma_start3A_25] : memref<2x128x128xf32, #tpu.memory_space<vmem>> -> memref<1x128x128xf32, #tpu.memory_space<vmem>>
    %dma_start3A_27 = tpu.memref_squeeze %dma_start3A_26 : memref<1x128x128xf32, #tpu.memory_space<vmem>> -> memref<128x128xf32, #tpu.memory_space<vmem>>
    %dma_start3A_28 = arith.constant 0 : i32
    %dma_start3A_29 = tpu.memref_slice %arg7[%dma_start3A_20, %dma_start3A_21, %dma_start3A_22, %dma_start3A_28] : memref<2x2x16x128xi32, #tpu.memory_space<vmem>> -> memref<1x1x1x128xi32, #tpu.memory_space<vmem>>
    %dma_start3A_30 = tpu.memref_squeeze %dma_start3A_29 : memref<1x1x1x128xi32, #tpu.memory_space<vmem>> -> memref<128xi32, #tpu.memory_space<vmem>>
    %dma_start3A_31 = arith.constant 0 : i32
    %dma_start3A_32 = arith.constant 0 : i32
    %dma_start3A_33 = tpu.memref_slice %arg2[%dma_start3A_31, %dma_start3A_32] : memref<10000x128xf32, #tpu.memory_space<hbm>> -> memref<10000x128xf32, #tpu.memory_space<hbm>>
    tpu.enqueue_indirect_dma source(%dma_start3A_33 : memref<10000x128xf32, #tpu.memory_space<hbm>>) target(%dma_start3A_27 : memref<128x128xf32, #tpu.memory_space<vmem>>) offsets(%dma_start3A_30 : memref<128xi32, #tpu.memory_space<vmem>>) semaphore(%arg10 : memref<!tpu.dma_semaphore, #tpu.memory_space<semaphore_mem>>)
    %dma_start3A_34 = arith.constant 0 : i32
    %dma_start3A_35 = arith.constant 0 : i32
    %dma_start3A_36 = arith.constant 1 : i32
    %dma_start3A_37 = arith.constant 1 : i32
    %dma_start3A_38 = arith.constant 0 : i32
    %dma_start3A_39 = arith.constant 0 : i32
    %dma_start3A_40 = tpu.memref_slice %arg8[%dma_start3A_37, %dma_start3A_38, %dma_start3A_39] : memref<2x128x128xf32, #tpu.memory_space<vmem>> -> memref<1x128x128xf32, #tpu.memory_space<vmem>>
    %dma_start3A_41 = tpu.memref_squeeze %dma_start3A_40 : memref<1x128x128xf32, #tpu.memory_space<vmem>> -> memref<128x128xf32, #tpu.memory_space<vmem>>
    %dma_start3A_42 = arith.constant 0 : i32
    %dma_start3A_43 = tpu.memref_slice %arg7[%dma_start3A_34, %dma_start3A_35, %dma_start3A_36, %dma_start3A_42] : memref<2x2x16x128xi32, #tpu.memory_space<vmem>> -> memref<1x1x1x128xi32, #tpu.memory_space<vmem>>
    %dma_start3A_44 = tpu.memref_squeeze %dma_start3A_43 : memref<1x1x1x128xi32, #tpu.memory_space<vmem>> -> memref<128xi32, #tpu.memory_space<vmem>>
    %dma_start3A_45 = arith.constant 0 : i32
    %dma_start3A_46 = arith.constant 0 : i32
    %dma_start3A_47 = tpu.memref_slice %arg2[%dma_start3A_45, %dma_start3A_46] : memref<10000x128xf32, #tpu.memory_space<hbm>> -> memref<10000x128xf32, #tpu.memory_space<hbm>>
    tpu.enqueue_indirect_dma source(%dma_start3A_47 : memref<10000x128xf32, #tpu.memory_space<hbm>>) target(%dma_start3A_41 : memref<128x128xf32, #tpu.memory_space<vmem>>) offsets(%dma_start3A_44 : memref<128xi32, #tpu.memory_space<vmem>>) semaphore(%arg11 : memref<!tpu.dma_semaphore, #tpu.memory_space<semaphore_mem>>)
    %dma_wait3A = arith.constant 0 : i32
    %dma_wait3A_48 = tpu.memref_slice %arg9[%mul3A_2, %dma_wait3A] : memref<10240x128xf32, #tpu.memory_space<vmem_shared>> -> memref<640x128xf32, #tpu.memory_space<vmem_shared>>
    tpu.wait_dma2 semaphore(%arg13 : memref<!tpu.dma_semaphore, #tpu.memory_space<semaphore_mem>>) src(%arg5 : memref<640x128xf32, #tpu.memory_space<hbm>>) dst(%dma_wait3A_48 : memref<640x128xf32, #tpu.memory_space<vmem_shared>>)
    %barrier3A = arith.constant 0 : index
    tpu.barrier barrier_id(%barrier3A)
    %scan3A = arith.constant 0 : i32
    %scan3A_49 = arith.constant 0 : i32
    %scan3A_50 = arith.constant 1 : i32
    %scan3A_51 = arith.constant 0 : i32
    %scan3A_52 = arith.constant 39 : i32
    %scan3A_53 = arith.addi %scan3A_51, %scan3A_52 : i32
    %scan3A_54 = arith.constant 1 : i32
    scf.for %scan3A_96 = %scan3A_51 to %scan3A_53 step %scan3A_54  : i32 {
      %mul3A_97 = arith.constant 2 : i32
      %mul3A_98 = arith.muli %mul3A_97, %scan3A_96 : i32
      %jit3A = arith.constant 16 : i32
      %div3A = arith.divsi %mul3A_98, %jit3A : i32
      %sign3A = arith.constant 0 : i32
      %sign3A_99 = arith.cmpi sgt, %mul3A_98, %sign3A : i32
      %sign3A_100 = arith.extui %sign3A_99 : i1 to i32
      %sign3A_101 = arith.constant 0 : i32
      %sign3A_102 = arith.cmpi slt, %mul3A_98, %sign3A_101 : i32
      %sign3A_103 = arith.extui %sign3A_102 : i1 to i32
      %sign3A_104 = arith.subi %sign3A_100, %sign3A_103 : i32
      %sign3A_105 = arith.constant 0 : i32
      %sign3A_106 = arith.cmpi sgt, %jit3A, %sign3A_105 : i32
      %sign3A_107 = arith.extui %sign3A_106 : i1 to i32
      %sign3A_108 = arith.constant 0 : i32
      %sign3A_109 = arith.cmpi slt, %jit3A, %sign3A_108 : i32
      %sign3A_110 = arith.extui %sign3A_109 : i1 to i32
      %sign3A_111 = arith.subi %sign3A_107, %sign3A_110 : i32
      %ne3A = arith.cmpi ne, %sign3A_104, %sign3A_111 : i32
      %rem3A = arith.remsi %mul3A_98, %jit3A : i32
      %ne3A_112 = arith.constant 0 : i32
      %ne3A_113 = arith.cmpi ne, %rem3A, %ne3A_112 : i32
      %and3A = arith.andi %ne3A, %ne3A_113 : i1
      %sub3A = arith.constant 1 : i32
      %sub3A_114 = arith.subi %div3A, %sub3A : i32
      %select_n3A = arith.select %and3A, %sub3A_114, %div3A : i32
      %jit3A_115 = arith.constant 16 : i32
      %eq3A_116 = arith.constant 0 : i32
      %eq3A_117 = arith.cmpi eq, %jit3A_115, %eq3A_116 : i32
      %jit3A_118 = arith.constant 1 : i32
      %select_n3A_119 = arith.select %eq3A_117, %jit3A_118, %jit3A_115 : i32
      %rem3A_120 = arith.remsi %mul3A_98, %select_n3A_119 : i32
      %ne3A_121 = arith.constant 0 : i32
      %ne3A_122 = arith.cmpi ne, %rem3A_120, %ne3A_121 : i32
      %lt3A_123 = arith.constant 0 : i32
      %lt3A_124 = arith.cmpi slt, %rem3A_120, %lt3A_123 : i32
      %lt3A_125 = arith.constant 0 : i32
      %lt3A_126 = arith.cmpi slt, %select_n3A_119, %lt3A_125 : i32
      %ne3A_127 = arith.xori %lt3A_124, %lt3A_126 : i1
      %and3A_128 = arith.andi %ne3A_127, %ne3A_122 : i1
      %add3A_129 = arith.addi %rem3A_120, %select_n3A_119 : i32
      %select_n3A_130 = arith.select %and3A_128, %add3A_129, %rem3A_120 : i32
      %eq3A_131 = arith.constant 14 : i32
      %eq3A_132 = arith.cmpi eq, %select_n3A_130, %eq3A_131 : i32
      %convert_element_type3A_133 = arith.extui %eq3A_132 : i1 to i32
      %cond3A_134 = arith.constant 0 : i32
      %cond3A_135 = arith.cmpi ne, %convert_element_type3A_133, %cond3A_134 : i32
      scf.if %cond3A_135 {
        %dma_wait3A_442 = arith.constant 0 : i32
        %dma_wait3A_443 = arith.constant 0 : i32
        %dma_wait3A_444 = arith.constant 0 : i32
        %dma_wait3A_445 = arith.constant 0 : i32
        %dma_wait3A_446 = arith.constant 0 : i32
        %dma_wait3A_447 = arith.constant 0 : i32
        %dma_wait3A_448 = tpu.memref_slice %arg7[%dma_wait3A_444, %dma_wait3A_445, %dma_wait3A_446, %dma_wait3A_447] : memref<2x2x16x128xi32, #tpu.memory_space<vmem>> -> memref<1x2x16x128xi32, #tpu.memory_space<vmem>>
        %dma_wait3A_449 = tpu.memref_squeeze %dma_wait3A_448 : memref<1x2x16x128xi32, #tpu.memory_space<vmem>> -> memref<2x16x128xi32, #tpu.memory_space<vmem>>
        %dma_wait3A_450 = arith.constant 0 : i32
        %dma_wait3A_451 = arith.constant 0 : i32
        %dma_wait3A_452 = tpu.memref_slice %arg4[%dma_wait3A_442, %dma_wait3A_443, %dma_wait3A_450, %dma_wait3A_451] : memref<2x5x16x128xi32, #tpu.memory_space<hbm>> -> memref<1x1x16x128xi32, #tpu.memory_space<hbm>>
        %dma_wait3A_453 = tpu.memref_squeeze %dma_wait3A_452 : memref<1x1x16x128xi32, #tpu.memory_space<hbm>> -> memref<16x128xi32, #tpu.memory_space<hbm>>
        %dma_wait3A_454 = arith.constant 0 : i32
        %dma_wait3A_455 = arith.constant 0 : i32
        %dma_wait3A_456 = arith.constant 0 : i32
        %dma_wait3A_457 = tpu.memref_slice %arg7[%dma_wait3A_444, %dma_wait3A_454, %dma_wait3A_455, %dma_wait3A_456] : memref<2x2x16x128xi32, #tpu.memory_space<vmem>> -> memref<1x2x16x128xi32, #tpu.memory_space<vmem>>
        %dma_wait3A_458 = tpu.memref_squeeze %dma_wait3A_457 : memref<1x2x16x128xi32, #tpu.memory_space<vmem>> -> memref<2x16x128xi32, #tpu.memory_space<vmem>>
        %dma_wait3A_459 = arith.constant 0 : i32
        %dma_wait3A_460 = arith.constant 0 : i32
        %dma_wait3A_461 = tpu.memref_slice %arg4[%dma_wait3A_442, %dma_wait3A_443, %dma_wait3A_459, %dma_wait3A_460] : memref<2x5x16x128xi32, #tpu.memory_space<hbm>> -> memref<1x1x16x128xi32, #tpu.memory_space<hbm>>
        %dma_wait3A_462 = tpu.memref_squeeze %dma_wait3A_461 : memref<1x1x16x128xi32, #tpu.memory_space<hbm>> -> memref<16x128xi32, #tpu.memory_space<hbm>>
        tpu.wait_dma2 semaphore(%arg12 : memref<!tpu.dma_semaphore, #tpu.memory_space<semaphore_mem>>) src(%dma_wait3A_462 : memref<16x128xi32, #tpu.memory_space<hbm>>) dst(%dma_wait3A_458 : memref<2x16x128xi32, #tpu.memory_space<vmem>>)
      } else {
      }
      %dma_wait3A_136 = arith.constant 0 : i32
      %dma_wait3A_137 = arith.constant 0 : i32
      %dma_wait3A_138 = arith.constant 0 : i32
      %dma_wait3A_139 = arith.constant 0 : i32
      %dma_wait3A_140 = arith.constant 0 : i32
      %dma_wait3A_141 = tpu.memref_slice %arg8[%scan3A_49, %dma_wait3A_139, %dma_wait3A_140] : memref<2x128x128xf32, #tpu.memory_space<vmem>> -> memref<1x128x128xf32, #tpu.memory_space<vmem>>
      %dma_wait3A_142 = tpu.memref_squeeze %dma_wait3A_141 : memref<1x128x128xf32, #tpu.memory_space<vmem>> -> memref<128x128xf32, #tpu.memory_space<vmem>>
      %dma_wait3A_143 = arith.constant 0 : i32
      %dma_wait3A_144 = tpu.memref_slice %arg7[%dma_wait3A_136, %dma_wait3A_137, %dma_wait3A_138, %dma_wait3A_143] : memref<2x2x16x128xi32, #tpu.memory_space<vmem>> -> memref<1x1x1x128xi32, #tpu.memory_space<vmem>>
      %dma_wait3A_145 = tpu.memref_squeeze %dma_wait3A_144 : memref<1x1x1x128xi32, #tpu.memory_space<vmem>> -> memref<128xi32, #tpu.memory_space<vmem>>
      %dma_wait3A_146 = arith.constant 0 : i32
      %dma_wait3A_147 = arith.constant 0 : i32
      %dma_wait3A_148 = tpu.memref_slice %arg2[%dma_wait3A_146, %dma_wait3A_147] : memref<10000x128xf32, #tpu.memory_space<hbm>> -> memref<10000x128xf32, #tpu.memory_space<hbm>>
      tpu.wait_indirect_dma semaphore(%arg10 : memref<!tpu.dma_semaphore, #tpu.memory_space<semaphore_mem>>) src(%dma_wait3A_148 : memref<10000x128xf32, #tpu.memory_space<hbm>>) dst(%dma_wait3A_142 : memref<128x128xf32, #tpu.memory_space<vmem>>)
      %jit3A_149 = arith.constant 16 : i32
      %div3A_150 = arith.divsi %mul3A_98, %jit3A_149 : i32
      %sign3A_151 = arith.constant 0 : i32
      %sign3A_152 = arith.cmpi sgt, %mul3A_98, %sign3A_151 : i32
      %sign3A_153 = arith.extui %sign3A_152 : i1 to i32
      %sign3A_154 = arith.constant 0 : i32
      %sign3A_155 = arith.cmpi slt, %mul3A_98, %sign3A_154 : i32
      %sign3A_156 = arith.extui %sign3A_155 : i1 to i32
      %sign3A_157 = arith.subi %sign3A_153, %sign3A_156 : i32
      %sign3A_158 = arith.constant 0 : i32
      %sign3A_159 = arith.cmpi sgt, %jit3A_149, %sign3A_158 : i32
      %sign3A_160 = arith.extui %sign3A_159 : i1 to i32
      %sign3A_161 = arith.constant 0 : i32
      %sign3A_162 = arith.cmpi slt, %jit3A_149, %sign3A_161 : i32
      %sign3A_163 = arith.extui %sign3A_162 : i1 to i32
      %sign3A_164 = arith.subi %sign3A_160, %sign3A_163 : i32
      %ne3A_165 = arith.cmpi ne, %sign3A_157, %sign3A_164 : i32
      %rem3A_166 = arith.remsi %mul3A_98, %jit3A_149 : i32
      %ne3A_167 = arith.constant 0 : i32
      %ne3A_168 = arith.cmpi ne, %rem3A_166, %ne3A_167 : i32
      %and3A_169 = arith.andi %ne3A_165, %ne3A_168 : i1
      %sub3A_170 = arith.constant 1 : i32
      %sub3A_171 = arith.subi %div3A_150, %sub3A_170 : i32
      %select_n3A_172 = arith.select %and3A_169, %sub3A_171, %div3A_150 : i32
      %jit3A_173 = arith.constant 2 : i32
      %eq3A_174 = arith.constant 0 : i32
      %eq3A_175 = arith.cmpi eq, %jit3A_173, %eq3A_174 : i32
      %jit3A_176 = arith.constant 1 : i32
      %select_n3A_177 = arith.select %eq3A_175, %jit3A_176, %jit3A_173 : i32
      %rem3A_178 = arith.remsi %select_n3A_172, %select_n3A_177 : i32
      %ne3A_179 = arith.constant 0 : i32
      %ne3A_180 = arith.cmpi ne, %rem3A_178, %ne3A_179 : i32
      %lt3A_181 = arith.constant 0 : i32
      %lt3A_182 = arith.cmpi slt, %rem3A_178, %lt3A_181 : i32
      %lt3A_183 = arith.constant 0 : i32
      %lt3A_184 = arith.cmpi slt, %select_n3A_177, %lt3A_183 : i32
      %ne3A_185 = arith.xori %lt3A_182, %lt3A_184 : i1
      %and3A_186 = arith.andi %ne3A_185, %ne3A_180 : i1
      %add3A_187 = arith.addi %rem3A_178, %select_n3A_177 : i32
      %select_n3A_188 = arith.select %and3A_186, %add3A_187, %rem3A_178 : i32
      %jit3A_189 = arith.constant 16 : i32
      %eq3A_190 = arith.constant 0 : i32
      %eq3A_191 = arith.cmpi eq, %jit3A_189, %eq3A_190 : i32
      %jit3A_192 = arith.constant 1 : i32
      %select_n3A_193 = arith.select %eq3A_191, %jit3A_192, %jit3A_189 : i32
      %rem3A_194 = arith.remsi %mul3A_98, %select_n3A_193 : i32
      %ne3A_195 = arith.constant 0 : i32
      %ne3A_196 = arith.cmpi ne, %rem3A_194, %ne3A_195 : i32
      %lt3A_197 = arith.constant 0 : i32
      %lt3A_198 = arith.cmpi slt, %rem3A_194, %lt3A_197 : i32
      %lt3A_199 = arith.constant 0 : i32
      %lt3A_200 = arith.cmpi slt, %select_n3A_193, %lt3A_199 : i32
      %ne3A_201 = arith.xori %lt3A_198, %lt3A_200 : i1
      %and3A_202 = arith.andi %ne3A_201, %ne3A_196 : i1
      %add3A_203 = arith.addi %rem3A_194, %select_n3A_193 : i32
      %select_n3A_204 = arith.select %and3A_202, %add3A_203, %rem3A_194 : i32
      %run_scoped3A_205 = arith.constant 1 : i32
      "tpu.region"() ({
        %run_scoped3A_442 = tpu.sem_alloc : memref<!tpu.dma_semaphore, #tpu.memory_space<semaphore_mem>>
        %dma_start3A_443 = arith.constant 0 : i32
        %dma_start3A_444 = arith.constant 0 : i32
        %dma_start3A_445 = tpu.memref_slice %arg8[%scan3A_49, %dma_start3A_443, %dma_start3A_444] : memref<2x128x128xf32, #tpu.memory_space<vmem>> -> memref<1x128x128xf32, #tpu.memory_space<vmem>>
        %dma_start3A_446 = tpu.memref_squeeze %dma_start3A_445 : memref<1x128x128xf32, #tpu.memory_space<vmem>> -> memref<128x128xf32, #tpu.memory_space<vmem>>
        %dma_start3A_447 = arith.constant 0 : i32
        %dma_start3A_448 = tpu.memref_slice %arg7[%select_n3A_188, %run_scoped3A_205, %select_n3A_204, %dma_start3A_447] : memref<2x2x16x128xi32, #tpu.memory_space<vmem>> -> memref<1x1x1x128xi32, #tpu.memory_space<vmem>>
        %dma_start3A_449 = tpu.memref_squeeze %dma_start3A_448 : memref<1x1x1x128xi32, #tpu.memory_space<vmem>> -> memref<128xi32, #tpu.memory_space<vmem>>
        %dma_start3A_450 = arith.constant 0 : i32
        %dma_start3A_451 = arith.constant 0 : i32
        %dma_start3A_452 = tpu.memref_slice %arg9[%dma_start3A_450, %dma_start3A_451] : memref<10240x128xf32, #tpu.memory_space<vmem_shared>> -> memref<10240x128xf32, #tpu.memory_space<vmem_shared>>
        tpu.enqueue_indirect_dma source(%dma_start3A_446 : memref<128x128xf32, #tpu.memory_space<vmem>>) target(%dma_start3A_452 : memref<10240x128xf32, #tpu.memory_space<vmem_shared>>) offsets(%dma_start3A_449 : memref<128xi32, #tpu.memory_space<vmem>>) semaphore(%run_scoped3A_442 : memref<!tpu.dma_semaphore, #tpu.memory_space<semaphore_mem>>) {add = true}
        %dma_wait3A_453 = arith.constant 0 : i32
        %dma_wait3A_454 = arith.constant 0 : i32
        %dma_wait3A_455 = tpu.memref_slice %arg8[%scan3A_49, %dma_wait3A_453, %dma_wait3A_454] : memref<2x128x128xf32, #tpu.memory_space<vmem>> -> memref<1x128x128xf32, #tpu.memory_space<vmem>>
        %dma_wait3A_456 = tpu.memref_squeeze %dma_wait3A_455 : memref<1x128x128xf32, #tpu.memory_space<vmem>> -> memref<128x128xf32, #tpu.memory_space<vmem>>
        %dma_wait3A_457 = arith.constant 0 : i32
        %dma_wait3A_458 = tpu.memref_slice %arg7[%select_n3A_188, %run_scoped3A_205, %select_n3A_204, %dma_wait3A_457] : memref<2x2x16x128xi32, #tpu.memory_space<vmem>> -> memref<1x1x1x128xi32, #tpu.memory_space<vmem>>
        %dma_wait3A_459 = tpu.memref_squeeze %dma_wait3A_458 : memref<1x1x1x128xi32, #tpu.memory_space<vmem>> -> memref<128xi32, #tpu.memory_space<vmem>>
        %dma_wait3A_460 = arith.constant 0 : i32
        %dma_wait3A_461 = arith.constant 0 : i32
        %dma_wait3A_462 = tpu.memref_slice %arg9[%dma_wait3A_460, %dma_wait3A_461] : memref<10240x128xf32, #tpu.memory_space<vmem_shared>> -> memref<10240x128xf32, #tpu.memory_space<vmem_shared>>
        tpu.wait_indirect_dma semaphore(%run_scoped3A_442 : memref<!tpu.dma_semaphore, #tpu.memory_space<semaphore_mem>>) src(%dma_wait3A_456 : memref<128x128xf32, #tpu.memory_space<vmem>>) dst(%dma_wait3A_462 : memref<10240x128xf32, #tpu.memory_space<vmem_shared>>)
        tpu.yield
      }) : () -> ()
      %add3A_206 = arith.constant 2 : i32
      %add3A_207 = arith.addi %mul3A_98, %add3A_206 : i32
      %jit3A_208 = arith.constant 16 : i32
      %div3A_209 = arith.divsi %add3A_207, %jit3A_208 : i32
      %sign3A_210 = arith.constant 0 : i32
      %sign3A_211 = arith.cmpi sgt, %add3A_207, %sign3A_210 : i32
      %sign3A_212 = arith.extui %sign3A_211 : i1 to i32
      %sign3A_213 = arith.constant 0 : i32
      %sign3A_214 = arith.cmpi slt, %add3A_207, %sign3A_213 : i32
      %sign3A_215 = arith.extui %sign3A_214 : i1 to i32
      %sign3A_216 = arith.subi %sign3A_212, %sign3A_215 : i32
      %sign3A_217 = arith.constant 0 : i32
      %sign3A_218 = arith.cmpi sgt, %jit3A_208, %sign3A_217 : i32
      %sign3A_219 = arith.extui %sign3A_218 : i1 to i32
      %sign3A_220 = arith.constant 0 : i32
      %sign3A_221 = arith.cmpi slt, %jit3A_208, %sign3A_220 : i32
      %sign3A_222 = arith.extui %sign3A_221 : i1 to i32
      %sign3A_223 = arith.subi %sign3A_219, %sign3A_222 : i32
      %ne3A_224 = arith.cmpi ne, %sign3A_216, %sign3A_223 : i32
      %rem3A_225 = arith.remsi %add3A_207, %jit3A_208 : i32
      %ne3A_226 = arith.constant 0 : i32
      %ne3A_227 = arith.cmpi ne, %rem3A_225, %ne3A_226 : i32
      %and3A_228 = arith.andi %ne3A_224, %ne3A_227 : i1
      %sub3A_229 = arith.constant 1 : i32
      %sub3A_230 = arith.subi %div3A_209, %sub3A_229 : i32
      %select_n3A_231 = arith.select %and3A_228, %sub3A_230, %div3A_209 : i32
      %jit3A_232 = arith.constant 2 : i32
      %eq3A_233 = arith.constant 0 : i32
      %eq3A_234 = arith.cmpi eq, %jit3A_232, %eq3A_233 : i32
      %jit3A_235 = arith.constant 1 : i32
      %select_n3A_236 = arith.select %eq3A_234, %jit3A_235, %jit3A_232 : i32
      %rem3A_237 = arith.remsi %select_n3A_231, %select_n3A_236 : i32
      %ne3A_238 = arith.constant 0 : i32
      %ne3A_239 = arith.cmpi ne, %rem3A_237, %ne3A_238 : i32
      %lt3A_240 = arith.constant 0 : i32
      %lt3A_241 = arith.cmpi slt, %rem3A_237, %lt3A_240 : i32
      %lt3A_242 = arith.constant 0 : i32
      %lt3A_243 = arith.cmpi slt, %select_n3A_236, %lt3A_242 : i32
      %ne3A_244 = arith.xori %lt3A_241, %lt3A_243 : i1
      %and3A_245 = arith.andi %ne3A_244, %ne3A_239 : i1
      %add3A_246 = arith.addi %rem3A_237, %select_n3A_236 : i32
      %select_n3A_247 = arith.select %and3A_245, %add3A_246, %rem3A_237 : i32
      %jit3A_248 = arith.constant 16 : i32
      %eq3A_249 = arith.constant 0 : i32
      %eq3A_250 = arith.cmpi eq, %jit3A_248, %eq3A_249 : i32
      %jit3A_251 = arith.constant 1 : i32
      %select_n3A_252 = arith.select %eq3A_250, %jit3A_251, %jit3A_248 : i32
      %rem3A_253 = arith.remsi %add3A_207, %select_n3A_252 : i32
      %ne3A_254 = arith.constant 0 : i32
      %ne3A_255 = arith.cmpi ne, %rem3A_253, %ne3A_254 : i32
      %lt3A_256 = arith.constant 0 : i32
      %lt3A_257 = arith.cmpi slt, %rem3A_253, %lt3A_256 : i32
      %lt3A_258 = arith.constant 0 : i32
      %lt3A_259 = arith.cmpi slt, %select_n3A_252, %lt3A_258 : i32
      %ne3A_260 = arith.xori %lt3A_257, %lt3A_259 : i1
      %and3A_261 = arith.andi %ne3A_260, %ne3A_255 : i1
      %add3A_262 = arith.addi %rem3A_253, %select_n3A_252 : i32
      %select_n3A_263 = arith.select %and3A_261, %add3A_262, %rem3A_253 : i32
      %dma_start3A_264 = arith.constant 0 : i32
      %dma_start3A_265 = arith.constant 0 : i32
      %dma_start3A_266 = arith.constant 0 : i32
      %dma_start3A_267 = tpu.memref_slice %arg8[%scan3A_49, %dma_start3A_265, %dma_start3A_266] : memref<2x128x128xf32, #tpu.memory_space<vmem>> -> memref<1x128x128xf32, #tpu.memory_space<vmem>>
      %dma_start3A_268 = tpu.memref_squeeze %dma_start3A_267 : memref<1x128x128xf32, #tpu.memory_space<vmem>> -> memref<128x128xf32, #tpu.memory_space<vmem>>
      %dma_start3A_269 = arith.constant 0 : i32
      %dma_start3A_270 = tpu.memref_slice %arg7[%select_n3A_247, %dma_start3A_264, %select_n3A_263, %dma_start3A_269] : memref<2x2x16x128xi32, #tpu.memory_space<vmem>> -> memref<1x1x1x128xi32, #tpu.memory_space<vmem>>
      %dma_start3A_271 = tpu.memref_squeeze %dma_start3A_270 : memref<1x1x1x128xi32, #tpu.memory_space<vmem>> -> memref<128xi32, #tpu.memory_space<vmem>>
      %dma_start3A_272 = arith.constant 0 : i32
      %dma_start3A_273 = arith.constant 0 : i32
      %dma_start3A_274 = tpu.memref_slice %arg2[%dma_start3A_272, %dma_start3A_273] : memref<10000x128xf32, #tpu.memory_space<hbm>> -> memref<10000x128xf32, #tpu.memory_space<hbm>>
      tpu.enqueue_indirect_dma source(%dma_start3A_274 : memref<10000x128xf32, #tpu.memory_space<hbm>>) target(%dma_start3A_268 : memref<128x128xf32, #tpu.memory_space<vmem>>) offsets(%dma_start3A_271 : memref<128xi32, #tpu.memory_space<vmem>>) semaphore(%arg10 : memref<!tpu.dma_semaphore, #tpu.memory_space<semaphore_mem>>)
      %dma_wait3A_275 = arith.constant 0 : i32
      %dma_wait3A_276 = arith.constant 0 : i32
      %dma_wait3A_277 = arith.constant 0 : i32
      %dma_wait3A_278 = arith.constant 0 : i32
      %dma_wait3A_279 = arith.constant 0 : i32
      %dma_wait3A_280 = tpu.memref_slice %arg8[%scan3A_50, %dma_wait3A_278, %dma_wait3A_279] : memref<2x128x128xf32, #tpu.memory_space<vmem>> -> memref<1x128x128xf32, #tpu.memory_space<vmem>>
      %dma_wait3A_281 = tpu.memref_squeeze %dma_wait3A_280 : memref<1x128x128xf32, #tpu.memory_space<vmem>> -> memref<128x128xf32, #tpu.memory_space<vmem>>
      %dma_wait3A_282 = arith.constant 0 : i32
      %dma_wait3A_283 = tpu.memref_slice %arg7[%dma_wait3A_275, %dma_wait3A_276, %dma_wait3A_277, %dma_wait3A_282] : memref<2x2x16x128xi32, #tpu.memory_space<vmem>> -> memref<1x1x1x128xi32, #tpu.memory_space<vmem>>
      %dma_wait3A_284 = tpu.memref_squeeze %dma_wait3A_283 : memref<1x1x1x128xi32, #tpu.memory_space<vmem>> -> memref<128xi32, #tpu.memory_space<vmem>>
      %dma_wait3A_285 = arith.constant 0 : i32
      %dma_wait3A_286 = arith.constant 0 : i32
      %dma_wait3A_287 = tpu.memref_slice %arg2[%dma_wait3A_285, %dma_wait3A_286] : memref<10000x128xf32, #tpu.memory_space<hbm>> -> memref<10000x128xf32, #tpu.memory_space<hbm>>
      tpu.wait_indirect_dma semaphore(%arg11 : memref<!tpu.dma_semaphore, #tpu.memory_space<semaphore_mem>>) src(%dma_wait3A_287 : memref<10000x128xf32, #tpu.memory_space<hbm>>) dst(%dma_wait3A_281 : memref<128x128xf32, #tpu.memory_space<vmem>>)
      %add3A_288 = arith.constant 1 : i32
      %add3A_289 = arith.addi %mul3A_98, %add3A_288 : i32
      %jit3A_290 = arith.constant 16 : i32
      %div3A_291 = arith.divsi %add3A_289, %jit3A_290 : i32
      %sign3A_292 = arith.constant 0 : i32
      %sign3A_293 = arith.cmpi sgt, %add3A_289, %sign3A_292 : i32
      %sign3A_294 = arith.extui %sign3A_293 : i1 to i32
      %sign3A_295 = arith.constant 0 : i32
      %sign3A_296 = arith.cmpi slt, %add3A_289, %sign3A_295 : i32
      %sign3A_297 = arith.extui %sign3A_296 : i1 to i32
      %sign3A_298 = arith.subi %sign3A_294, %sign3A_297 : i32
      %sign3A_299 = arith.constant 0 : i32
      %sign3A_300 = arith.cmpi sgt, %jit3A_290, %sign3A_299 : i32
      %sign3A_301 = arith.extui %sign3A_300 : i1 to i32
      %sign3A_302 = arith.constant 0 : i32
      %sign3A_303 = arith.cmpi slt, %jit3A_290, %sign3A_302 : i32
      %sign3A_304 = arith.extui %sign3A_303 : i1 to i32
      %sign3A_305 = arith.subi %sign3A_301, %sign3A_304 : i32
      %ne3A_306 = arith.cmpi ne, %sign3A_298, %sign3A_305 : i32
      %rem3A_307 = arith.remsi %add3A_289, %jit3A_290 : i32
      %ne3A_308 = arith.constant 0 : i32
      %ne3A_309 = arith.cmpi ne, %rem3A_307, %ne3A_308 : i32
      %and3A_310 = arith.andi %ne3A_306, %ne3A_309 : i1
      %sub3A_311 = arith.constant 1 : i32
      %sub3A_312 = arith.subi %div3A_291, %sub3A_311 : i32
      %select_n3A_313 = arith.select %and3A_310, %sub3A_312, %div3A_291 : i32
      %jit3A_314 = arith.constant 2 : i32
      %eq3A_315 = arith.constant 0 : i32
      %eq3A_316 = arith.cmpi eq, %jit3A_314, %eq3A_315 : i32
      %jit3A_317 = arith.constant 1 : i32
      %select_n3A_318 = arith.select %eq3A_316, %jit3A_317, %jit3A_314 : i32
      %rem3A_319 = arith.remsi %select_n3A_313, %select_n3A_318 : i32
      %ne3A_320 = arith.constant 0 : i32
      %ne3A_321 = arith.cmpi ne, %rem3A_319, %ne3A_320 : i32
      %lt3A_322 = arith.constant 0 : i32
      %lt3A_323 = arith.cmpi slt, %rem3A_319, %lt3A_322 : i32
      %lt3A_324 = arith.constant 0 : i32
      %lt3A_325 = arith.cmpi slt, %select_n3A_318, %lt3A_324 : i32
      %ne3A_326 = arith.xori %lt3A_323, %lt3A_325 : i1
      %and3A_327 = arith.andi %ne3A_326, %ne3A_321 : i1
      %add3A_328 = arith.addi %rem3A_319, %select_n3A_318 : i32
      %select_n3A_329 = arith.select %and3A_327, %add3A_328, %rem3A_319 : i32
      %jit3A_330 = arith.constant 16 : i32
      %eq3A_331 = arith.constant 0 : i32
      %eq3A_332 = arith.cmpi eq, %jit3A_330, %eq3A_331 : i32
      %jit3A_333 = arith.constant 1 : i32
      %select_n3A_334 = arith.select %eq3A_332, %jit3A_333, %jit3A_330 : i32
      %rem3A_335 = arith.remsi %add3A_289, %select_n3A_334 : i32
      %ne3A_336 = arith.constant 0 : i32
      %ne3A_337 = arith.cmpi ne, %rem3A_335, %ne3A_336 : i32
      %lt3A_338 = arith.constant 0 : i32
      %lt3A_339 = arith.cmpi slt, %rem3A_335, %lt3A_338 : i32
      %lt3A_340 = arith.constant 0 : i32
      %lt3A_341 = arith.cmpi slt, %select_n3A_334, %lt3A_340 : i32
      %ne3A_342 = arith.xori %lt3A_339, %lt3A_341 : i1
      %and3A_343 = arith.andi %ne3A_342, %ne3A_337 : i1
      %add3A_344 = arith.addi %rem3A_335, %select_n3A_334 : i32
      %select_n3A_345 = arith.select %and3A_343, %add3A_344, %rem3A_335 : i32
      %run_scoped3A_346 = arith.constant 1 : i32
      "tpu.region"() ({
        %run_scoped3A_442 = tpu.sem_alloc : memref<!tpu.dma_semaphore, #tpu.memory_space<semaphore_mem>>
        %dma_start3A_443 = arith.constant 0 : i32
        %dma_start3A_444 = arith.constant 0 : i32
        %dma_start3A_445 = tpu.memref_slice %arg8[%scan3A_50, %dma_start3A_443, %dma_start3A_444] : memref<2x128x128xf32, #tpu.memory_space<vmem>> -> memref<1x128x128xf32, #tpu.memory_space<vmem>>
        %dma_start3A_446 = tpu.memref_squeeze %dma_start3A_445 : memref<1x128x128xf32, #tpu.memory_space<vmem>> -> memref<128x128xf32, #tpu.memory_space<vmem>>
        %dma_start3A_447 = arith.constant 0 : i32
        %dma_start3A_448 = tpu.memref_slice %arg7[%select_n3A_329, %run_scoped3A_346, %select_n3A_345, %dma_start3A_447] : memref<2x2x16x128xi32, #tpu.memory_space<vmem>> -> memref<1x1x1x128xi32, #tpu.memory_space<vmem>>
        %dma_start3A_449 = tpu.memref_squeeze %dma_start3A_448 : memref<1x1x1x128xi32, #tpu.memory_space<vmem>> -> memref<128xi32, #tpu.memory_space<vmem>>
        %dma_start3A_450 = arith.constant 0 : i32
        %dma_start3A_451 = arith.constant 0 : i32
        %dma_start3A_452 = tpu.memref_slice %arg9[%dma_start3A_450, %dma_start3A_451] : memref<10240x128xf32, #tpu.memory_space<vmem_shared>> -> memref<10240x128xf32, #tpu.memory_space<vmem_shared>>
        tpu.enqueue_indirect_dma source(%dma_start3A_446 : memref<128x128xf32, #tpu.memory_space<vmem>>) target(%dma_start3A_452 : memref<10240x128xf32, #tpu.memory_space<vmem_shared>>) offsets(%dma_start3A_449 : memref<128xi32, #tpu.memory_space<vmem>>) semaphore(%run_scoped3A_442 : memref<!tpu.dma_semaphore, #tpu.memory_space<semaphore_mem>>) {add = true}
        %dma_wait3A_453 = arith.constant 0 : i32
        %dma_wait3A_454 = arith.constant 0 : i32
        %dma_wait3A_455 = tpu.memref_slice %arg8[%scan3A_50, %dma_wait3A_453, %dma_wait3A_454] : memref<2x128x128xf32, #tpu.memory_space<vmem>> -> memref<1x128x128xf32, #tpu.memory_space<vmem>>
        %dma_wait3A_456 = tpu.memref_squeeze %dma_wait3A_455 : memref<1x128x128xf32, #tpu.memory_space<vmem>> -> memref<128x128xf32, #tpu.memory_space<vmem>>
        %dma_wait3A_457 = arith.constant 0 : i32
        %dma_wait3A_458 = tpu.memref_slice %arg7[%select_n3A_329, %run_scoped3A_346, %select_n3A_345, %dma_wait3A_457] : memref<2x2x16x128xi32, #tpu.memory_space<vmem>> -> memref<1x1x1x128xi32, #tpu.memory_space<vmem>>
        %dma_wait3A_459 = tpu.memref_squeeze %dma_wait3A_458 : memref<1x1x1x128xi32, #tpu.memory_space<vmem>> -> memref<128xi32, #tpu.memory_space<vmem>>
        %dma_wait3A_460 = arith.constant 0 : i32
        %dma_wait3A_461 = arith.constant 0 : i32
        %dma_wait3A_462 = tpu.memref_slice %arg9[%dma_wait3A_460, %dma_wait3A_461] : memref<10240x128xf32, #tpu.memory_space<vmem_shared>> -> memref<10240x128xf32, #tpu.memory_space<vmem_shared>>
        tpu.wait_indirect_dma semaphore(%run_scoped3A_442 : memref<!tpu.dma_semaphore, #tpu.memory_space<semaphore_mem>>) src(%dma_wait3A_456 : memref<128x128xf32, #tpu.memory_space<vmem>>) dst(%dma_wait3A_462 : memref<10240x128xf32, #tpu.memory_space<vmem_shared>>)
        tpu.yield
      }) : () -> ()
      %jit3A_347 = arith.constant 16 : i32
      %eq3A_348 = arith.constant 0 : i32
      %eq3A_349 = arith.cmpi eq, %jit3A_347, %eq3A_348 : i32
      %jit3A_350 = arith.constant 1 : i32
      %select_n3A_351 = arith.select %eq3A_349, %jit3A_350, %jit3A_347 : i32
      %rem3A_352 = arith.remsi %mul3A_98, %select_n3A_351 : i32
      %ne3A_353 = arith.constant 0 : i32
      %ne3A_354 = arith.cmpi ne, %rem3A_352, %ne3A_353 : i32
      %lt3A_355 = arith.constant 0 : i32
      %lt3A_356 = arith.cmpi slt, %rem3A_352, %lt3A_355 : i32
      %lt3A_357 = arith.constant 0 : i32
      %lt3A_358 = arith.cmpi slt, %select_n3A_351, %lt3A_357 : i32
      %ne3A_359 = arith.xori %lt3A_356, %lt3A_358 : i1
      %and3A_360 = arith.andi %ne3A_359, %ne3A_354 : i1
      %add3A_361 = arith.addi %rem3A_352, %select_n3A_351 : i32
      %select_n3A_362 = arith.select %and3A_360, %add3A_361, %rem3A_352 : i32
      %eq3A_363 = arith.constant 14 : i32
      %eq3A_364 = arith.cmpi eq, %select_n3A_362, %eq3A_363 : i32
      %add3A_365 = arith.constant 2 : i32
      %add3A_366 = arith.addi %select_n3A, %add3A_365 : i32
      %lt3A_367 = arith.constant 5 : i32
      %lt3A_368 = arith.cmpi slt, %add3A_366, %lt3A_367 : i32
      %and3A_369 = arith.andi %eq3A_364, %lt3A_368 : i1
      %convert_element_type3A_370 = arith.extui %and3A_369 : i1 to i32
      %cond3A_371 = arith.constant 0 : i32
      %cond3A_372 = arith.cmpi ne, %convert_element_type3A_370, %cond3A_371 : i32
      scf.if %cond3A_372 {
        %add3A_442 = arith.constant 2 : i32
        %add3A_443 = arith.addi %select_n3A, %add3A_442 : i32
        %jit3A_444 = arith.constant 2 : i32
        %eq3A_445 = arith.constant 0 : i32
        %eq3A_446 = arith.cmpi eq, %jit3A_444, %eq3A_445 : i32
        %jit3A_447 = arith.constant 1 : i32
        %select_n3A_448 = arith.select %eq3A_446, %jit3A_447, %jit3A_444 : i32
        %rem3A_449 = arith.remsi %select_n3A, %select_n3A_448 : i32
        %ne3A_450 = arith.constant 0 : i32
        %ne3A_451 = arith.cmpi ne, %rem3A_449, %ne3A_450 : i32
        %lt3A_452 = arith.constant 0 : i32
        %lt3A_453 = arith.cmpi slt, %rem3A_449, %lt3A_452 : i32
        %lt3A_454 = arith.constant 0 : i32
        %lt3A_455 = arith.cmpi slt, %select_n3A_448, %lt3A_454 : i32
        %ne3A_456 = arith.xori %lt3A_453, %lt3A_455 : i1
        %and3A_457 = arith.andi %ne3A_456, %ne3A_451 : i1
        %add3A_458 = arith.addi %rem3A_449, %select_n3A_448 : i32
        %select_n3A_459 = arith.select %and3A_457, %add3A_458, %rem3A_449 : i32
        %lt3A_460 = arith.constant 31 : i32
        %lt3A_461 = arith.cmpi slt, %add3A, %lt3A_460 : i32
        %convert_element_type3A_462 = arith.extui %lt3A_461 : i1 to i32
        %cond3A_463 = arith.constant 0 : i32
        %cond3A_464 = arith.cmpi ne, %convert_element_type3A_462, %cond3A_463 : i32
        scf.if %cond3A_464 {
          %mul3A_470 = arith.constant 80 : i32
          %mul3A_471 = arith.muli %add3A, %mul3A_470 : i32
          %mul3A_472 = arith.constant 16 : i32
          %mul3A_473 = arith.muli %add3A_443, %mul3A_472 : i32
          %add3A_474 = arith.addi %mul3A_471, %mul3A_473 : i32
          %dma_start3A_475 = arith.constant 0 : i32
          %dma_start3A_476 = arith.constant 0 : i32
          %dma_start3A_477 = arith.constant 0 : i32
          %dma_start3A_478 = arith.constant 0 : i32
          %dma_start3A_479 = tpu.memref_slice %arg7[%select_n3A_459, %dma_start3A_476, %dma_start3A_477, %dma_start3A_478] : memref<2x2x16x128xi32, #tpu.memory_space<vmem>> -> memref<1x1x16x128xi32, #tpu.memory_space<vmem>>
          %dma_start3A_480 = tpu.memref_squeeze %dma_start3A_479 : memref<1x1x16x128xi32, #tpu.memory_space<vmem>> -> memref<16x128xi32, #tpu.memory_space<vmem>>
          %dma_start3A_481 = arith.constant 0 : i32
          %dma_start3A_482 = tpu.memref_slice %arg3[%dma_start3A_475, %add3A_474, %dma_start3A_481] : memref<2x2500x128xi32, #tpu.memory_space<hbm>> -> memref<1x16x128xi32, #tpu.memory_space<hbm>>
          %dma_start3A_483 = tpu.memref_squeeze %dma_start3A_482 : memref<1x16x128xi32, #tpu.memory_space<hbm>> -> memref<16x128xi32, #tpu.memory_space<hbm>>
          %dma_start3A_484 = arith.constant 0 : i32
          %dma_start3A_485 = arith.constant 0 : i32
          %dma_start3A_486 = tpu.memref_slice %arg7[%select_n3A_459, %dma_start3A_476, %dma_start3A_484, %dma_start3A_485] : memref<2x2x16x128xi32, #tpu.memory_space<vmem>> -> memref<1x1x16x128xi32, #tpu.memory_space<vmem>>
          %dma_start3A_487 = tpu.memref_squeeze %dma_start3A_486 : memref<1x1x16x128xi32, #tpu.memory_space<vmem>> -> memref<16x128xi32, #tpu.memory_space<vmem>>
          %dma_start3A_488 = arith.constant 0 : i32
          %dma_start3A_489 = tpu.memref_slice %arg3[%dma_start3A_475, %add3A_474, %dma_start3A_488] : memref<2x2500x128xi32, #tpu.memory_space<hbm>> -> memref<1x16x128xi32, #tpu.memory_space<hbm>>
          %dma_start3A_490 = tpu.memref_squeeze %dma_start3A_489 : memref<1x16x128xi32, #tpu.memory_space<hbm>> -> memref<16x128xi32, #tpu.memory_space<hbm>>
          tpu.enqueue_dma source(%dma_start3A_490 : memref<16x128xi32, #tpu.memory_space<hbm>>) target(%dma_start3A_487 : memref<16x128xi32, #tpu.memory_space<vmem>>) target_semaphore(%arg12 : memref<!tpu.dma_semaphore, #tpu.memory_space<semaphore_mem>>)
          %dma_start3A_491 = arith.constant 1 : i32
          %dma_start3A_492 = arith.constant 1 : i32
          %dma_start3A_493 = arith.constant 0 : i32
          %dma_start3A_494 = arith.constant 0 : i32
          %dma_start3A_495 = tpu.memref_slice %arg7[%select_n3A_459, %dma_start3A_492, %dma_start3A_493, %dma_start3A_494] : memref<2x2x16x128xi32, #tpu.memory_space<vmem>> -> memref<1x1x16x128xi32, #tpu.memory_space<vmem>>
          %dma_start3A_496 = tpu.memref_squeeze %dma_start3A_495 : memref<1x1x16x128xi32, #tpu.memory_space<vmem>> -> memref<16x128xi32, #tpu.memory_space<vmem>>
          %dma_start3A_497 = arith.constant 0 : i32
          %dma_start3A_498 = tpu.memref_slice %arg3[%dma_start3A_491, %add3A_474, %dma_start3A_497] : memref<2x2500x128xi32, #tpu.memory_space<hbm>> -> memref<1x16x128xi32, #tpu.memory_space<hbm>>
          %dma_start3A_499 = tpu.memref_squeeze %dma_start3A_498 : memref<1x16x128xi32, #tpu.memory_space<hbm>> -> memref<16x128xi32, #tpu.memory_space<hbm>>
          %dma_start3A_500 = arith.constant 0 : i32
          %dma_start3A_501 = arith.constant 0 : i32
          %dma_start3A_502 = tpu.memref_slice %arg7[%select_n3A_459, %dma_start3A_492, %dma_start3A_500, %dma_start3A_501] : memref<2x2x16x128xi32, #tpu.memory_space<vmem>> -> memref<1x1x16x128xi32, #tpu.memory_space<vmem>>
          %dma_start3A_503 = tpu.memref_squeeze %dma_start3A_502 : memref<1x1x16x128xi32, #tpu.memory_space<vmem>> -> memref<16x128xi32, #tpu.memory_space<vmem>>
          %dma_start3A_504 = arith.constant 0 : i32
          %dma_start3A_505 = tpu.memref_slice %arg3[%dma_start3A_491, %add3A_474, %dma_start3A_504] : memref<2x2500x128xi32, #tpu.memory_space<hbm>> -> memref<1x16x128xi32, #tpu.memory_space<hbm>>
          %dma_start3A_506 = tpu.memref_squeeze %dma_start3A_505 : memref<1x16x128xi32, #tpu.memory_space<hbm>> -> memref<16x128xi32, #tpu.memory_space<hbm>>
          tpu.enqueue_dma source(%dma_start3A_506 : memref<16x128xi32, #tpu.memory_space<hbm>>) target(%dma_start3A_503 : memref<16x128xi32, #tpu.memory_space<vmem>>) target_semaphore(%arg12 : memref<!tpu.dma_semaphore, #tpu.memory_space<semaphore_mem>>)
        } else {
        }
        %eq3A_465 = arith.constant 31 : i32
        %eq3A_466 = arith.cmpi eq, %add3A, %eq3A_465 : i32
        %convert_element_type3A_467 = arith.extui %eq3A_466 : i1 to i32
        %cond3A_468 = arith.constant 0 : i32
        %cond3A_469 = arith.cmpi ne, %convert_element_type3A_467, %cond3A_468 : i32
        scf.if %cond3A_469 {
          %dma_start3A_470 = arith.constant 0 : i32
          %dma_start3A_471 = arith.constant 0 : i32
          %dma_start3A_472 = arith.constant 0 : i32
          %dma_start3A_473 = arith.constant 0 : i32
          %dma_start3A_474 = tpu.memref_slice %arg7[%select_n3A_459, %dma_start3A_471, %dma_start3A_472, %dma_start3A_473] : memref<2x2x16x128xi32, #tpu.memory_space<vmem>> -> memref<1x1x16x128xi32, #tpu.memory_space<vmem>>
          %dma_start3A_475 = tpu.memref_squeeze %dma_start3A_474 : memref<1x1x16x128xi32, #tpu.memory_space<vmem>> -> memref<16x128xi32, #tpu.memory_space<vmem>>
          %dma_start3A_476 = arith.constant 0 : i32
          %dma_start3A_477 = arith.constant 0 : i32
          %dma_start3A_478 = tpu.memref_slice %arg4[%dma_start3A_470, %add3A_443, %dma_start3A_476, %dma_start3A_477] : memref<2x5x16x128xi32, #tpu.memory_space<hbm>> -> memref<1x1x16x128xi32, #tpu.memory_space<hbm>>
          %dma_start3A_479 = tpu.memref_squeeze %dma_start3A_478 : memref<1x1x16x128xi32, #tpu.memory_space<hbm>> -> memref<16x128xi32, #tpu.memory_space<hbm>>
          %dma_start3A_480 = arith.constant 0 : i32
          %dma_start3A_481 = arith.constant 0 : i32
          %dma_start3A_482 = tpu.memref_slice %arg7[%select_n3A_459, %dma_start3A_471, %dma_start3A_480, %dma_start3A_481] : memref<2x2x16x128xi32, #tpu.memory_space<vmem>> -> memref<1x1x16x128xi32, #tpu.memory_space<vmem>>
          %dma_start3A_483 = tpu.memref_squeeze %dma_start3A_482 : memref<1x1x16x128xi32, #tpu.memory_space<vmem>> -> memref<16x128xi32, #tpu.memory_space<vmem>>
          %dma_start3A_484 = arith.constant 0 : i32
          %dma_start3A_485 = arith.constant 0 : i32
          %dma_start3A_486 = tpu.memref_slice %arg4[%dma_start3A_470, %add3A_443, %dma_start3A_484, %dma_start3A_485] : memref<2x5x16x128xi32, #tpu.memory_space<hbm>> -> memref<1x1x16x128xi32, #tpu.memory_space<hbm>>
          %dma_start3A_487 = tpu.memref_squeeze %dma_start3A_486 : memref<1x1x16x128xi32, #tpu.memory_space<hbm>> -> memref<16x128xi32, #tpu.memory_space<hbm>>
          tpu.enqueue_dma source(%dma_start3A_487 : memref<16x128xi32, #tpu.memory_space<hbm>>) target(%dma_start3A_483 : memref<16x128xi32, #tpu.memory_space<vmem>>) target_semaphore(%arg12 : memref<!tpu.dma_semaphore, #tpu.memory_space<semaphore_mem>>)
          %dma_start3A_488 = arith.constant 1 : i32
          %dma_start3A_489 = arith.constant 1 : i32
          %dma_start3A_490 = arith.constant 0 : i32
          %dma_start3A_491 = arith.constant 0 : i32
          %dma_start3A_492 = tpu.memref_slice %arg7[%select_n3A_459, %dma_start3A_489, %dma_start3A_490, %dma_start3A_491] : memref<2x2x16x128xi32, #tpu.memory_space<vmem>> -> memref<1x1x16x128xi32, #tpu.memory_space<vmem>>
          %dma_start3A_493 = tpu.memref_squeeze %dma_start3A_492 : memref<1x1x16x128xi32, #tpu.memory_space<vmem>> -> memref<16x128xi32, #tpu.memory_space<vmem>>
          %dma_start3A_494 = arith.constant 0 : i32
          %dma_start3A_495 = arith.constant 0 : i32
          %dma_start3A_496 = tpu.memref_slice %arg4[%dma_start3A_488, %add3A_443, %dma_start3A_494, %dma_start3A_495] : memref<2x5x16x128xi32, #tpu.memory_space<hbm>> -> memref<1x1x16x128xi32, #tpu.memory_space<hbm>>
          %dma_start3A_497 = tpu.memref_squeeze %dma_start3A_496 : memref<1x1x16x128xi32, #tpu.memory_space<hbm>> -> memref<16x128xi32, #tpu.memory_space<hbm>>
          %dma_start3A_498 = arith.constant 0 : i32
          %dma_start3A_499 = arith.constant 0 : i32
          %dma_start3A_500 = tpu.memref_slice %arg7[%select_n3A_459, %dma_start3A_489, %dma_start3A_498, %dma_start3A_499] : memref<2x2x16x128xi32, #tpu.memory_space<vmem>> -> memref<1x1x16x128xi32, #tpu.memory_space<vmem>>
          %dma_start3A_501 = tpu.memref_squeeze %dma_start3A_500 : memref<1x1x16x128xi32, #tpu.memory_space<vmem>> -> memref<16x128xi32, #tpu.memory_space<vmem>>
          %dma_start3A_502 = arith.constant 0 : i32
          %dma_start3A_503 = arith.constant 0 : i32
          %dma_start3A_504 = tpu.memref_slice %arg4[%dma_start3A_488, %add3A_443, %dma_start3A_502, %dma_start3A_503] : memref<2x5x16x128xi32, #tpu.memory_space<hbm>> -> memref<1x1x16x128xi32, #tpu.memory_space<hbm>>
          %dma_start3A_505 = tpu.memref_squeeze %dma_start3A_504 : memref<1x1x16x128xi32, #tpu.memory_space<hbm>> -> memref<16x128xi32, #tpu.memory_space<hbm>>
          tpu.enqueue_dma source(%dma_start3A_505 : memref<16x128xi32, #tpu.memory_space<hbm>>) target(%dma_start3A_501 : memref<16x128xi32, #tpu.memory_space<vmem>>) target_semaphore(%arg12 : memref<!tpu.dma_semaphore, #tpu.memory_space<semaphore_mem>>)
        } else {
        }
      } else {
      }
      %add3A_373 = arith.constant 3 : i32
      %add3A_374 = arith.addi %mul3A_98, %add3A_373 : i32
      %jit3A_375 = arith.constant 16 : i32
      %div3A_376 = arith.divsi %add3A_374, %jit3A_375 : i32
      %sign3A_377 = arith.constant 0 : i32
      %sign3A_378 = arith.cmpi sgt, %add3A_374, %sign3A_377 : i32
      %sign3A_379 = arith.extui %sign3A_378 : i1 to i32
      %sign3A_380 = arith.constant 0 : i32
      %sign3A_381 = arith.cmpi slt, %add3A_374, %sign3A_380 : i32
      %sign3A_382 = arith.extui %sign3A_381 : i1 to i32
      %sign3A_383 = arith.subi %sign3A_379, %sign3A_382 : i32
      %sign3A_384 = arith.constant 0 : i32
      %sign3A_385 = arith.cmpi sgt, %jit3A_375, %sign3A_384 : i32
      %sign3A_386 = arith.extui %sign3A_385 : i1 to i32
      %sign3A_387 = arith.constant 0 : i32
      %sign3A_388 = arith.cmpi slt, %jit3A_375, %sign3A_387 : i32
      %sign3A_389 = arith.extui %sign3A_388 : i1 to i32
      %sign3A_390 = arith.subi %sign3A_386, %sign3A_389 : i32
      %ne3A_391 = arith.cmpi ne, %sign3A_383, %sign3A_390 : i32
      %rem3A_392 = arith.remsi %add3A_374, %jit3A_375 : i32
      %ne3A_393 = arith.constant 0 : i32
      %ne3A_394 = arith.cmpi ne, %rem3A_392, %ne3A_393 : i32
      %and3A_395 = arith.andi %ne3A_391, %ne3A_394 : i1
      %sub3A_396 = arith.constant 1 : i32
      %sub3A_397 = arith.subi %div3A_376, %sub3A_396 : i32
      %select_n3A_398 = arith.select %and3A_395, %sub3A_397, %div3A_376 : i32
      %jit3A_399 = arith.constant 2 : i32
      %eq3A_400 = arith.constant 0 : i32
      %eq3A_401 = arith.cmpi eq, %jit3A_399, %eq3A_400 : i32
      %jit3A_402 = arith.constant 1 : i32
      %select_n3A_403 = arith.select %eq3A_401, %jit3A_402, %jit3A_399 : i32
      %rem3A_404 = arith.remsi %select_n3A_398, %select_n3A_403 : i32
      %ne3A_405 = arith.constant 0 : i32
      %ne3A_406 = arith.cmpi ne, %rem3A_404, %ne3A_405 : i32
      %lt3A_407 = arith.constant 0 : i32
      %lt3A_408 = arith.cmpi slt, %rem3A_404, %lt3A_407 : i32
      %lt3A_409 = arith.constant 0 : i32
      %lt3A_410 = arith.cmpi slt, %select_n3A_403, %lt3A_409 : i32
      %ne3A_411 = arith.xori %lt3A_408, %lt3A_410 : i1
      %and3A_412 = arith.andi %ne3A_411, %ne3A_406 : i1
      %add3A_413 = arith.addi %rem3A_404, %select_n3A_403 : i32
      %select_n3A_414 = arith.select %and3A_412, %add3A_413, %rem3A_404 : i32
      %jit3A_415 = arith.constant 16 : i32
      %eq3A_416 = arith.constant 0 : i32
      %eq3A_417 = arith.cmpi eq, %jit3A_415, %eq3A_416 : i32
      %jit3A_418 = arith.constant 1 : i32
      %select_n3A_419 = arith.select %eq3A_417, %jit3A_418, %jit3A_415 : i32
      %rem3A_420 = arith.remsi %add3A_374, %select_n3A_419 : i32
      %ne3A_421 = arith.constant 0 : i32
      %ne3A_422 = arith.cmpi ne, %rem3A_420, %ne3A_421 : i32
      %lt3A_423 = arith.constant 0 : i32
      %lt3A_424 = arith.cmpi slt, %rem3A_420, %lt3A_423 : i32
      %lt3A_425 = arith.constant 0 : i32
      %lt3A_426 = arith.cmpi slt, %select_n3A_419, %lt3A_425 : i32
      %ne3A_427 = arith.xori %lt3A_424, %lt3A_426 : i1
      %and3A_428 = arith.andi %ne3A_427, %ne3A_422 : i1
      %add3A_429 = arith.addi %rem3A_420, %select_n3A_419 : i32
      %select_n3A_430 = arith.select %and3A_428, %add3A_429, %rem3A_420 : i32
      %dma_start3A_431 = arith.constant 0 : i32
      %dma_start3A_432 = arith.constant 0 : i32
      %dma_start3A_433 = arith.constant 0 : i32
      %dma_start3A_434 = tpu.memref_slice %arg8[%scan3A_50, %dma_start3A_432, %dma_start3A_433] : memref<2x128x128xf32, #tpu.memory_space<vmem>> -> memref<1x128x128xf32, #tpu.memory_space<vmem>>
      %dma_start3A_435 = tpu.memref_squeeze %dma_start3A_434 : memref<1x128x128xf32, #tpu.memory_space<vmem>> -> memref<128x128xf32, #tpu.memory_space<vmem>>
      %dma_start3A_436 = arith.constant 0 : i32
      %dma_start3A_437 = tpu.memref_slice %arg7[%select_n3A_414, %dma_start3A_431, %select_n3A_430, %dma_start3A_436] : memref<2x2x16x128xi32, #tpu.memory_space<vmem>> -> memref<1x1x1x128xi32, #tpu.memory_space<vmem>>
      %dma_start3A_438 = tpu.memref_squeeze %dma_start3A_437 : memref<1x1x1x128xi32, #tpu.memory_space<vmem>> -> memref<128xi32, #tpu.memory_space<vmem>>
      %dma_start3A_439 = arith.constant 0 : i32
      %dma_start3A_440 = arith.constant 0 : i32
      %dma_start3A_441 = tpu.memref_slice %arg2[%dma_start3A_439, %dma_start3A_440] : memref<10000x128xf32, #tpu.memory_space<hbm>> -> memref<10000x128xf32, #tpu.memory_space<hbm>>
      tpu.enqueue_indirect_dma source(%dma_start3A_441 : memref<10000x128xf32, #tpu.memory_space<hbm>>) target(%dma_start3A_435 : memref<128x128xf32, #tpu.memory_space<vmem>>) offsets(%dma_start3A_438 : memref<128xi32, #tpu.memory_space<vmem>>) semaphore(%arg11 : memref<!tpu.dma_semaphore, #tpu.memory_space<semaphore_mem>>)
    }
    %scan3A_55 = arith.constant 39 : i32
    %dma_wait3A_56 = arith.constant 0 : i32
    %dma_wait3A_57 = arith.constant 0 : i32
    %dma_wait3A_58 = arith.constant 0 : i32
    %dma_wait3A_59 = arith.constant 0 : i32
    %dma_wait3A_60 = arith.constant 0 : i32
    %dma_wait3A_61 = arith.constant 0 : i32
    %dma_wait3A_62 = tpu.memref_slice %arg8[%dma_wait3A_59, %dma_wait3A_60, %dma_wait3A_61] : memref<2x128x128xf32, #tpu.memory_space<vmem>> -> memref<1x128x128xf32, #tpu.memory_space<vmem>>
    %dma_wait3A_63 = tpu.memref_squeeze %dma_wait3A_62 : memref<1x128x128xf32, #tpu.memory_space<vmem>> -> memref<128x128xf32, #tpu.memory_space<vmem>>
    %dma_wait3A_64 = arith.constant 0 : i32
    %dma_wait3A_65 = tpu.memref_slice %arg7[%dma_wait3A_56, %dma_wait3A_57, %dma_wait3A_58, %dma_wait3A_64] : memref<2x2x16x128xi32, #tpu.memory_space<vmem>> -> memref<1x1x1x128xi32, #tpu.memory_space<vmem>>
    %dma_wait3A_66 = tpu.memref_squeeze %dma_wait3A_65 : memref<1x1x1x128xi32, #tpu.memory_space<vmem>> -> memref<128xi32, #tpu.memory_space<vmem>>
    %dma_wait3A_67 = arith.constant 0 : i32
    %dma_wait3A_68 = arith.constant 0 : i32
    %dma_wait3A_69 = tpu.memref_slice %arg2[%dma_wait3A_67, %dma_wait3A_68] : memref<10000x128xf32, #tpu.memory_space<hbm>> -> memref<10000x128xf32, #tpu.memory_space<hbm>>
    tpu.wait_indirect_dma semaphore(%arg10 : memref<!tpu.dma_semaphore, #tpu.memory_space<semaphore_mem>>) src(%dma_wait3A_69 : memref<10000x128xf32, #tpu.memory_space<hbm>>) dst(%dma_wait3A_63 : memref<128x128xf32, #tpu.memory_space<vmem>>)
    %run_scoped3A = arith.constant 0 : i32
    %run_scoped3A_70 = arith.constant 0 : i32
    %run_scoped3A_71 = arith.constant 1 : i32
    %run_scoped3A_72 = arith.constant 14 : i32
    "tpu.region"() ({
      %run_scoped3A_96 = tpu.sem_alloc : memref<!tpu.dma_semaphore, #tpu.memory_space<semaphore_mem>>
      %dma_start3A_97 = arith.constant 0 : i32
      %dma_start3A_98 = arith.constant 0 : i32
      %dma_start3A_99 = tpu.memref_slice %arg8[%run_scoped3A, %dma_start3A_97, %dma_start3A_98] : memref<2x128x128xf32, #tpu.memory_space<vmem>> -> memref<1x128x128xf32, #tpu.memory_space<vmem>>
      %dma_start3A_100 = tpu.memref_squeeze %dma_start3A_99 : memref<1x128x128xf32, #tpu.memory_space<vmem>> -> memref<128x128xf32, #tpu.memory_space<vmem>>
      %dma_start3A_101 = arith.constant 0 : i32
      %dma_start3A_102 = tpu.memref_slice %arg7[%run_scoped3A_70, %run_scoped3A_71, %run_scoped3A_72, %dma_start3A_101] : memref<2x2x16x128xi32, #tpu.memory_space<vmem>> -> memref<1x1x1x128xi32, #tpu.memory_space<vmem>>
      %dma_start3A_103 = tpu.memref_squeeze %dma_start3A_102 : memref<1x1x1x128xi32, #tpu.memory_space<vmem>> -> memref<128xi32, #tpu.memory_space<vmem>>
      %dma_start3A_104 = arith.constant 0 : i32
      %dma_start3A_105 = arith.constant 0 : i32
      %dma_start3A_106 = tpu.memref_slice %arg9[%dma_start3A_104, %dma_start3A_105] : memref<10240x128xf32, #tpu.memory_space<vmem_shared>> -> memref<10240x128xf32, #tpu.memory_space<vmem_shared>>
      tpu.enqueue_indirect_dma source(%dma_start3A_100 : memref<128x128xf32, #tpu.memory_space<vmem>>) target(%dma_start3A_106 : memref<10240x128xf32, #tpu.memory_space<vmem_shared>>) offsets(%dma_start3A_103 : memref<128xi32, #tpu.memory_space<vmem>>) semaphore(%run_scoped3A_96 : memref<!tpu.dma_semaphore, #tpu.memory_space<semaphore_mem>>) {add = true}
      %dma_wait3A_107 = arith.constant 0 : i32
      %dma_wait3A_108 = arith.constant 0 : i32
      %dma_wait3A_109 = tpu.memref_slice %arg8[%run_scoped3A, %dma_wait3A_107, %dma_wait3A_108] : memref<2x128x128xf32, #tpu.memory_space<vmem>> -> memref<1x128x128xf32, #tpu.memory_space<vmem>>
      %dma_wait3A_110 = tpu.memref_squeeze %dma_wait3A_109 : memref<1x128x128xf32, #tpu.memory_space<vmem>> -> memref<128x128xf32, #tpu.memory_space<vmem>>
      %dma_wait3A_111 = arith.constant 0 : i32
      %dma_wait3A_112 = tpu.memref_slice %arg7[%run_scoped3A_70, %run_scoped3A_71, %run_scoped3A_72, %dma_wait3A_111] : memref<2x2x16x128xi32, #tpu.memory_space<vmem>> -> memref<1x1x1x128xi32, #tpu.memory_space<vmem>>
      %dma_wait3A_113 = tpu.memref_squeeze %dma_wait3A_112 : memref<1x1x1x128xi32, #tpu.memory_space<vmem>> -> memref<128xi32, #tpu.memory_space<vmem>>
      %dma_wait3A_114 = arith.constant 0 : i32
      %dma_wait3A_115 = arith.constant 0 : i32
      %dma_wait3A_116 = tpu.memref_slice %arg9[%dma_wait3A_114, %dma_wait3A_115] : memref<10240x128xf32, #tpu.memory_space<vmem_shared>> -> memref<10240x128xf32, #tpu.memory_space<vmem_shared>>
      tpu.wait_indirect_dma semaphore(%run_scoped3A_96 : memref<!tpu.dma_semaphore, #tpu.memory_space<semaphore_mem>>) src(%dma_wait3A_110 : memref<128x128xf32, #tpu.memory_space<vmem>>) dst(%dma_wait3A_116 : memref<10240x128xf32, #tpu.memory_space<vmem_shared>>)
      tpu.yield
    }) : () -> ()
    %dma_wait3A_73 = arith.constant 0 : i32
    %dma_wait3A_74 = arith.constant 0 : i32
    %dma_wait3A_75 = arith.constant 0 : i32
    %dma_wait3A_76 = arith.constant 1 : i32
    %dma_wait3A_77 = arith.constant 0 : i32
    %dma_wait3A_78 = arith.constant 0 : i32
    %dma_wait3A_79 = tpu.memref_slice %arg8[%dma_wait3A_76, %dma_wait3A_77, %dma_wait3A_78] : memref<2x128x128xf32, #tpu.memory_space<vmem>> -> memref<1x128x128xf32, #tpu.memory_space<vmem>>
    %dma_wait3A_80 = tpu.memref_squeeze %dma_wait3A_79 : memref<1x128x128xf32, #tpu.memory_space<vmem>> -> memref<128x128xf32, #tpu.memory_space<vmem>>
    %dma_wait3A_81 = arith.constant 0 : i32
    %dma_wait3A_82 = tpu.memref_slice %arg7[%dma_wait3A_73, %dma_wait3A_74, %dma_wait3A_75, %dma_wait3A_81] : memref<2x2x16x128xi32, #tpu.memory_space<vmem>> -> memref<1x1x1x128xi32, #tpu.memory_space<vmem>>
    %dma_wait3A_83 = tpu.memref_squeeze %dma_wait3A_82 : memref<1x1x1x128xi32, #tpu.memory_space<vmem>> -> memref<128xi32, #tpu.memory_space<vmem>>
    %dma_wait3A_84 = arith.constant 0 : i32
    %dma_wait3A_85 = arith.constant 0 : i32
    %dma_wait3A_86 = tpu.memref_slice %arg2[%dma_wait3A_84, %dma_wait3A_85] : memref<10000x128xf32, #tpu.memory_space<hbm>> -> memref<10000x128xf32, #tpu.memory_space<hbm>>
    tpu.wait_indirect_dma semaphore(%arg11 : memref<!tpu.dma_semaphore, #tpu.memory_space<semaphore_mem>>) src(%dma_wait3A_86 : memref<10000x128xf32, #tpu.memory_space<hbm>>) dst(%dma_wait3A_80 : memref<128x128xf32, #tpu.memory_space<vmem>>)
    %run_scoped3A_87 = arith.constant 1 : i32
    %run_scoped3A_88 = arith.constant 0 : i32
    %run_scoped3A_89 = arith.constant 1 : i32
    %run_scoped3A_90 = arith.constant 15 : i32
    "tpu.region"() ({
      %run_scoped3A_96 = tpu.sem_alloc : memref<!tpu.dma_semaphore, #tpu.memory_space<semaphore_mem>>
      %dma_start3A_97 = arith.constant 0 : i32
      %dma_start3A_98 = arith.constant 0 : i32
      %dma_start3A_99 = tpu.memref_slice %arg8[%run_scoped3A_87, %dma_start3A_97, %dma_start3A_98] : memref<2x128x128xf32, #tpu.memory_space<vmem>> -> memref<1x128x128xf32, #tpu.memory_space<vmem>>
      %dma_start3A_100 = tpu.memref_squeeze %dma_start3A_99 : memref<1x128x128xf32, #tpu.memory_space<vmem>> -> memref<128x128xf32, #tpu.memory_space<vmem>>
      %dma_start3A_101 = arith.constant 0 : i32
      %dma_start3A_102 = tpu.memref_slice %arg7[%run_scoped3A_88, %run_scoped3A_89, %run_scoped3A_90, %dma_start3A_101] : memref<2x2x16x128xi32, #tpu.memory_space<vmem>> -> memref<1x1x1x128xi32, #tpu.memory_space<vmem>>
      %dma_start3A_103 = tpu.memref_squeeze %dma_start3A_102 : memref<1x1x1x128xi32, #tpu.memory_space<vmem>> -> memref<128xi32, #tpu.memory_space<vmem>>
      %dma_start3A_104 = arith.constant 0 : i32
      %dma_start3A_105 = arith.constant 0 : i32
      %dma_start3A_106 = tpu.memref_slice %arg9[%dma_start3A_104, %dma_start3A_105] : memref<10240x128xf32, #tpu.memory_space<vmem_shared>> -> memref<10240x128xf32, #tpu.memory_space<vmem_shared>>
      tpu.enqueue_indirect_dma source(%dma_start3A_100 : memref<128x128xf32, #tpu.memory_space<vmem>>) target(%dma_start3A_106 : memref<10240x128xf32, #tpu.memory_space<vmem_shared>>) offsets(%dma_start3A_103 : memref<128xi32, #tpu.memory_space<vmem>>) semaphore(%run_scoped3A_96 : memref<!tpu.dma_semaphore, #tpu.memory_space<semaphore_mem>>) {add = true}
      %dma_wait3A_107 = arith.constant 0 : i32
      %dma_wait3A_108 = arith.constant 0 : i32
      %dma_wait3A_109 = tpu.memref_slice %arg8[%run_scoped3A_87, %dma_wait3A_107, %dma_wait3A_108] : memref<2x128x128xf32, #tpu.memory_space<vmem>> -> memref<1x128x128xf32, #tpu.memory_space<vmem>>
      %dma_wait3A_110 = tpu.memref_squeeze %dma_wait3A_109 : memref<1x128x128xf32, #tpu.memory_space<vmem>> -> memref<128x128xf32, #tpu.memory_space<vmem>>
      %dma_wait3A_111 = arith.constant 0 : i32
      %dma_wait3A_112 = tpu.memref_slice %arg7[%run_scoped3A_88, %run_scoped3A_89, %run_scoped3A_90, %dma_wait3A_111] : memref<2x2x16x128xi32, #tpu.memory_space<vmem>> -> memref<1x1x1x128xi32, #tpu.memory_space<vmem>>
      %dma_wait3A_113 = tpu.memref_squeeze %dma_wait3A_112 : memref<1x1x1x128xi32, #tpu.memory_space<vmem>> -> memref<128xi32, #tpu.memory_space<vmem>>
      %dma_wait3A_114 = arith.constant 0 : i32
      %dma_wait3A_115 = arith.constant 0 : i32
      %dma_wait3A_116 = tpu.memref_slice %arg9[%dma_wait3A_114, %dma_wait3A_115] : memref<10240x128xf32, #tpu.memory_space<vmem_shared>> -> memref<10240x128xf32, #tpu.memory_space<vmem_shared>>
      tpu.wait_indirect_dma semaphore(%run_scoped3A_96 : memref<!tpu.dma_semaphore, #tpu.memory_space<semaphore_mem>>) src(%dma_wait3A_110 : memref<128x128xf32, #tpu.memory_space<vmem>>) dst(%dma_wait3A_116 : memref<10240x128xf32, #tpu.memory_space<vmem_shared>>)
      tpu.yield
    }) : () -> ()
    %barrier3A_91 = arith.constant 0 : index
    tpu.barrier barrier_id(%barrier3A_91)
    %mul3A_92 = arith.constant 640 : i32
    %mul3A_93 = arith.muli %arg1, %mul3A_92 : i32
    %mul3A_94 = arith.constant 640 : i32
    %mul3A_95 = arith.muli %arg1, %mul3A_94 : i32
    "tpu.region"() ({
      %run_scoped3A_96 = tpu.sem_alloc : memref<!tpu.dma_semaphore, #tpu.memory_space<semaphore_mem>>
      %dma_start3A_97 = arith.constant 0 : i32
      %dma_start3A_98 = tpu.memref_slice %arg6[%arg0, %mul3A_95, %dma_start3A_97] : memref<2x10240x128xf32, #tpu.memory_space<hbm>> -> memref<1x640x128xf32, #tpu.memory_space<hbm>>
      %dma_start3A_99 = tpu.memref_squeeze %dma_start3A_98 : memref<1x640x128xf32, #tpu.memory_space<hbm>> -> memref<640x128xf32, #tpu.memory_space<hbm>>
      %dma_start3A_100 = arith.constant 0 : i32
      %dma_start3A_101 = tpu.memref_slice %arg9[%mul3A_93, %dma_start3A_100] : memref<10240x128xf32, #tpu.memory_space<vmem_shared>> -> memref<640x128xf32, #tpu.memory_space<vmem_shared>>
      tpu.enqueue_dma source(%dma_start3A_101 : memref<640x128xf32, #tpu.memory_space<vmem_shared>>) target(%dma_start3A_99 : memref<640x128xf32, #tpu.memory_space<hbm>>) target_semaphore(%run_scoped3A_96 : memref<!tpu.dma_semaphore, #tpu.memory_space<semaphore_mem>>)
      %dma_wait3A_102 = arith.constant 0 : i32
      %dma_wait3A_103 = tpu.memref_slice %arg6[%arg0, %mul3A_95, %dma_wait3A_102] : memref<2x10240x128xf32, #tpu.memory_space<hbm>> -> memref<1x640x128xf32, #tpu.memory_space<hbm>>
      %dma_wait3A_104 = tpu.memref_squeeze %dma_wait3A_103 : memref<1x640x128xf32, #tpu.memory_space<hbm>> -> memref<640x128xf32, #tpu.memory_space<hbm>>
      %dma_wait3A_105 = arith.constant 0 : i32
      %dma_wait3A_106 = tpu.memref_slice %arg9[%mul3A_93, %dma_wait3A_105] : memref<10240x128xf32, #tpu.memory_space<vmem_shared>> -> memref<640x128xf32, #tpu.memory_space<vmem_shared>>
      tpu.wait_dma2 semaphore(%run_scoped3A_96 : memref<!tpu.dma_semaphore, #tpu.memory_space<semaphore_mem>>) src(%dma_wait3A_106 : memref<640x128xf32, #tpu.memory_space<vmem_shared>>) dst(%dma_wait3A_104 : memref<640x128xf32, #tpu.memory_space<hbm>>)
      tpu.yield
    }) : () -> ()
    return
  }
}

module attributes {stable_mosaic.version = 14 : i64} {
  func.func @_tc_kernel(%arg0: i32, %arg1: memref<2x5000x128xf32, #tpu.memory_space<vmem>>, %arg2: memref<128x128xf32, #tpu.memory_space<vmem>>, %arg3: memref<1x128xf32, #tpu.memory_space<vmem>>, %arg4: memref<5000x128xf32, #tpu.memory_space<vmem>>) attributes {dimension_semantics = [#tpu.dimension_semantics<arbitrary>], iteration_bounds = array<i64: 2>, scalar_prefetch = 0 : i64, scratch_operands = 0 : i64, tpu.core_type = #tpu.core_type<tc>, window_params = [{transform_indices = @transform_0, window_bounds = array<i64: 2, 5000, 128>}, {pipeline_mode = #tpu.pipeline_mode<synchronous>, transform_indices = @transform_1, window_bounds = array<i64: 128, 128>}, {pipeline_mode = #tpu.pipeline_mode<synchronous>, transform_indices = @transform_2, window_bounds = array<i64: 1, 128>}, {transform_indices = @transform_3, window_bounds = array<i64: 5000, 128>}]} {
    %get3A = arith.constant 0 : index
    %get3A_0 = arith.constant 0 : index
    %get3A_1 = arith.constant 0 : index
    %get3A_2 = vector.load %arg1[%get3A, %get3A_0, %get3A_1] : memref<2x5000x128xf32, #tpu.memory_space<vmem>>, vector<1x5000x128xf32>
    %get3A_3 = vector.shape_cast %get3A_2 : vector<1x5000x128xf32> to vector<5000x128xf32>
    %get3A_4 = arith.constant 1 : index
    %get3A_5 = arith.constant 0 : index
    %get3A_6 = arith.constant 0 : index
    %get3A_7 = vector.load %arg1[%get3A_4, %get3A_5, %get3A_6] : memref<2x5000x128xf32, #tpu.memory_space<vmem>>, vector<1x5000x128xf32>
    %get3A_8 = vector.shape_cast %get3A_7 : vector<1x5000x128xf32> to vector<5000x128xf32>
    %add3A = arith.addf %get3A_3, %get3A_8 : vector<5000x128xf32>
    %get3A_9 = arith.constant 0 : index
    %get3A_10 = arith.constant 0 : index
    %get3A_11 = vector.load %arg2[%get3A_9, %get3A_10] : memref<128x128xf32, #tpu.memory_space<vmem>>, vector<128x128xf32>
    %dot_general3A = arith.constant dense<0.000000e+00> : vector<5000x128xf32>
    %dot_general3A_12 = tpu.matmul %add3A, %get3A_11, %dot_general3A {dimension_numbers = #tpu.dot_dimension_numbers<[1], [0], [0], [1], [0, 0, 1, 1], [], []>, transpose_lhs_hint = false} : vector<5000x128xf32>, vector<128x128xf32>, vector<5000x128xf32> -> vector<5000x128xf32>
    %get3A_13 = arith.constant 0 : index
    %get3A_14 = arith.constant 0 : index
    %get3A_15 = vector.load %arg3[%get3A_13, %get3A_14] : memref<1x128xf32, #tpu.memory_space<vmem>>, vector<1x128xf32>
    %add3A_16 = vector.broadcast %get3A_15 : vector<1x128xf32> to vector<5000x128xf32>
    %add3A_17 = arith.addf %dot_general3A_12, %add3A_16 : vector<5000x128xf32>
    %max3A = arith.constant 0.000000e+00 : f32
    %max3A_18 = vector.broadcast %max3A : f32 to vector<5000x128xf32>
    %max3A_19 = arith.maximumf %add3A_17, %max3A_18 : vector<5000x128xf32>
    %swap3A = arith.constant 0 : index
    %swap3A_20 = arith.constant 0 : index
    %swap3A_21 = vector.load %arg4[%swap3A, %swap3A_20] : memref<5000x128xf32, #tpu.memory_space<vmem>>, vector<5000x128xf32>
    tpu.vector_store %arg4[%swap3A, %swap3A_20], %max3A_19 {strides = array<i32>} : memref<5000x128xf32, #tpu.memory_space<vmem>>, vector<5000x128xf32>,
    return
  }
  func.func @transform_0(%arg0: i32) -> (i32, i32, i32) {
    %c0_i32 = arith.constant 0 : i32
    %c0_i32_0 = arith.constant 0 : i32
    %c0_i32_1 = arith.constant 0 : i32
    return %c0_i32, %arg0, %c0_i32_0 : i32, i32, i32
  }
  func.func @transform_1(%arg0: i32) -> (i32, i32) {
    %c0_i32 = arith.constant 0 : i32
    %c0_i32_0 = arith.constant 0 : i32
    %c0_i32_1 = arith.constant 0 : i32
    return %c0_i32, %c0_i32_0 : i32, i32
  }
  func.func @transform_2(%arg0: i32) -> (i32, i32) {
    %c0_i32 = arith.constant 0 : i32
    %c0_i32_0 = arith.constant 0 : i32
    %c0_i32_1 = arith.constant 0 : i32
    return %c0_i32, %c0_i32_0 : i32, i32
  }
  func.func @transform_3(%arg0: i32) -> (i32, i32) {
    %c0_i32 = arith.constant 0 : i32
    %c0_i32_0 = arith.constant 0 : i32
    return %arg0, %c0_i32 : i32, i32
  }
}

</mosaic_0001>

<sc_bundles>
// kernel: kernel.4.cloned.1.call-start
scs
__scs_entry_jumppad:
0x0: {  	(pc) =	sbr.rel $0x88, $3  }
0x1: {  	(tag) =	ssettag $0x0;
	lr =	simm.s32 $0x1  }
0x2: {  	[smem:$0x3F9D] =	sst lr;
	_ =	strace $0xD0000000  }
0x3: {  	_ = 	snop  }
0x4: {  	_ = 	snop  }
0x5: {  	_ = 	snop  }
0x6: {  	_ = 	snop  }
0x7: {  	_ = 	snop  }
__scs_overlays_trampoline_lowered:
0x8: {  	[smem:$0x3FAC] =	sst s0  }
0x9: {  	[smem:$0x3FAD] =	sst s1  }
0xa: {  	[smem:$0x3FAE] =	sst s2  }
0xb: {  	[smem:$0x3FAF] =	sst s3  }
0xc: {  	[smem:$0x3FB0] =	sst s4  }
0xd: {  	[smem:$0x3FB1] =	sst s5  }
0xe: {  	[smem:$0x3FB2] =	sst s6  }
0xf: {  	[smem:$0x3FB3] =	sst s7  }
0x10: {  	[smem:$0x3FB4] =	sst s8  }
0x11: {  	[smem:$0x3FB5] =	sst s9;
	s0 =	simm.s32 @!p0 $0x0  }
0x12: {  	s1 =	sld [smem:$0x3F9B];
	s0 =	simm.s32 @p0 $0x1  }
0x13: {  	[smem:$0x3FB6] =	sst s0;
	s0 =	simm.s32 @!p1 $0x0  }
0x14: {  	s2 =	sld [smem:$0x3F9A];
	s0 =	simm.s32 @p1 $0x1  }
0x15: {  	[smem:$0x3FB7] =	sst s0;
	s0 =	simm.s32 @!p2 $0x0  }
0x16: {  	s3 =	sld [smem:$0x3FDB];
	s0 =	simm.s32 @p2 $0x1  }
0x17: {  	s4 =	simm.s32 $0x1BF5;
	[smem:$0x3FB9] =	sst s0  }
0x18: {  	s0 =	sld [smem:$0x3F9C];
	_ =	swait.ge [sflag:s4], $0x0  }
0x19: {  	s7 =	sld [smem:$0x3F9D]  }
0x1a: {  	s8 =	sadd.s32 $0xFFFFE003, lr  }
0x1b: {  	s9 =	sadd.s32 $0xFFFFFEF7, lr;
	s5 =	simm.s32 $0xFFFFFFFF;
	p2 =	slt.u32 s8, $0xFFFFF086  }
0x1c: {  	p1 =	slt.u32 s9, $0xF7A;
	s5 =	simm.s32 @!p2 $0x0  }
0x1d: {  	s5 =	simm.s32 @p1 $0x1;
	p0 =	seq.s32 s7, s2  }
0x1e: {  	s7 =	smul.u32 @!p0 $0xF7A, s2;
	p2 =	seq.s32 @!p0 s5, $0x0  }
0x1f: {  	s9 =	smul.u32 $0xF7A, s1;
	s8 =	simm.s32 @!p0 $0x1BF5;
	p2 =	por !p2, p0  }
0x20: {  	[sflag:s8] =	ssyncset.s32 @!p0 $0xFFFFF086;
	s6 =	sadd.s32 @!p0 s3, s7;
	s7 =	simm.s32 @!p0 $0x108  }
0x21: {  	s3 =	sadd.s32 s3, s9;
	s6 =	sadd.s32 @!p0 $0x88, s6;
	s7 =	simm.s32 @p2 $0x1082  }
0x22: {  	[simem:s7], [sflag:s8] =	dma.local @!p0 [hbm:s6], $0xF7A  }
0x23: {  	s9 =	sor.u32 $0xD0000000, s2;
	s6 =	simm.s32 $0x108;
	_ =	swait.ge @!p0 [sflag:s8], $0x0  }
0x24: {  	s3 =	sadd.s32 $0x88, s3;
	s6 =	simm.s32 @!p1 $0x1082;
	[sflag:s4] =	ssyncset.s32 $0xFFFFF086  }
0x25: {  	[simem:s6], [sflag:s4] =	dma.local [hbm:s3], $0xF7A  }
0x26: {  	[smem:$0x3F9D] =	sst s1;
	(tag) =	ssettag s2;
	_ =	strace s9  }
0x27: {  	s1 =	sld [smem:$0x3FAD]  }
0x28: {  	s2 =	sld [smem:$0x3FAE]  }
0x29: {  	s4 =	sld [smem:$0x3FB0]  }
0x2a: {  	p0 =	seq.s32 s5, $0x0;
	s5 =	sld [smem:$0x3FB1]  }
0x2b: {  	s6 =	sld [smem:$0x3FB2]  }
0x2c: {  	s7 =	sld [smem:$0x3FB3]  }
0x2d: {  	s3 =	simm.s32 $0x108;
	s8 =	sld [smem:$0x3FB4]  }
0x2e: {  	s3 =	simm.s32 @!p0 $0x1082;
	s9 =	sld [smem:$0x3FB5]  }
0x2f: {  	lr =	sadd.s32 s0, s3;
	s0 =	sld [smem:$0x3FAC]  }
0x30: {  	s3 =	sld [smem:$0x3FAF]  }
0x31: {  	[smem:$0x3FB8] =	sst s10  }
0x32: {  	s10 =	sld [smem:$0x3FB6];
	_ =	sdelay $0x3  }
0x33: {  	p0 =	seq.s32 s10, $0x1;
	s10 =	sld [smem:$0x3FB8];
	_ =	sdelay $0x3  }
0x34: {  	[smem:$0x3FB8] =	sst s10  }
0x35: {  	s10 =	sld [smem:$0x3FB7];
	_ =	sdelay $0x3  }
0x36: {  	p1 =	seq.s32 s10, $0x1;
	s10 =	sld [smem:$0x3FB8];
	_ =	sdelay $0x3  }
0x37: {  	[smem:$0x3FB8] =	sst s10  }
0x38: {  	s10 =	sld [smem:$0x3FB9]  }
0x39: {  	_ = 	snop;
	(pc) =	sbr.ind lr, $3  }
0x3a: {  	_ = 	snop  }
0x3b: {  	_ = 	snop  }
0x3c: {  	p2 =	seq.s32 s10, $0x1;
	s10 =	sld [smem:$0x3FB8]  }
0x3d: {  	_ =	shalt  }
0x3e: {  	_ =	shalt  }
0x3f: {  	_ =	shalt  }
0x40: {  	_ =	shalt  }
0x41: {  	_ =	shalt  }
0x42: {  	_ =	shalt  }
0x43: {  	_ =	shalt  }
0x44: {  	_ =	shalt  }
0x45: {  	_ =	shalt  }
0x46: {  	_ =	shalt  }
0x47: {  	_ =	shalt  }
0x48: {  	_ =	shalt  }
0x49: {  	_ =	shalt  }
0x4a: {  	_ =	shalt  }
0x4b: {  	_ =	shalt  }
0x4c: {  	_ =	shalt  }
0x4d: {  	_ =	shalt  }
0x4e: {  	_ =	shalt  }
0x4f: {  	_ =	shalt  }
0x50: {  	_ =	shalt  }
0x51: {  	_ =	shalt  }
0x52: {  	_ =	shalt  }
0x53: {  	_ =	shalt  }
0x54: {  	_ =	shalt  }
0x55: {  	_ =	shalt  }
0x56: {  	_ =	shalt  }
0x57: {  	_ =	shalt  }
0x58: {  	_ =	shalt  }
0x59: {  	_ =	shalt  }
0x5a: {  	_ =	shalt  }
0x5b: {  	_ =	shalt  }
0x5c: {  	_ =	shalt  }
0x5d: {  	_ =	shalt  }
0x5e: {  	_ =	shalt  }
0x5f: {  	_ =	shalt  }
0x60: {  	_ =	shalt  }
0x61: {  	_ =	shalt  }
0x62: {  	_ =	shalt  }
0x63: {  	_ =	shalt  }
0x64: {  	_ =	shalt  }
0x65: {  	_ =	shalt  }
0x66: {  	_ =	shalt  }
0x67: {  	_ =	shalt  }
0x68: {  	_ =	shalt  }
0x69: {  	_ =	shalt  }
0x6a: {  	_ =	shalt  }
0x6b: {  	_ =	shalt  }
0x6c: {  	_ =	shalt  }
0x6d: {  	_ =	shalt  }
0x6e: {  	_ =	shalt  }
0x6f: {  	_ =	shalt  }
0x70: {  	_ =	shalt  }
0x71: {  	_ =	shalt  }
0x72: {  	_ =	shalt  }
0x73: {  	_ =	shalt  }
0x74: {  	_ =	shalt  }
0x75: {  	_ =	shalt  }
0x76: {  	_ =	shalt  }
0x77: {  	_ =	shalt  }
0x78: {  	_ =	shalt  }
0x79: {  	_ =	shalt  }
0x7a: {  	_ =	shalt  }
0x7b: {  	_ =	shalt  }
0x7c: {  	_ =	shalt  }
0x7d: {  	_ =	shalt  }
0x7e: {  	_ =	shalt  }
0x7f: {  	_ =	shalt  }
0x80: {  	_ =	shalt  }
0x81: {  	_ =	shalt  }
0x82: {  	_ =	shalt  }
0x83: {  	_ =	shalt  }
0x84: {  	_ =	shalt  }
0x85: {  	_ =	shalt  }
0x86: {  	_ =	shalt  }
0x87: {  	_ =	shalt  }
.Lfunc_end0:
.L_simem_size_0:
called_computation_lowered:
.L_overlay_start_0:
0x88: {  	s2 =	sld [smem:$0x3FD9]  }
0x89: {  	s3 =	sld [smem:$0x3FFE];
	_ =	sdelay $0x1  }
0x8a: {  	s1 =	srdreg.scid  }
0x8b: {  	s0 =	sand.u32 $0x1, s1  }
0x8c: {  	s17 =	sshll.u32 s0, $0xA;
	s2 =	sadd.s32 s3, s2  }
0x8d: {  	s2 =	sadd.s32 s2, s17  }
0x8e: {  	[smem:$0x3FC4] =	sst s2  }
0x8f: {  	_ = 	snop  }
0x90: {  	s2 =	sld [smem:$0x3FC9]  }
0x91: {  	s18 =	sld [smem:$0x3FD0];
	(tm) =	ssettm $0x1  }
0x92: {  	s4 =	sld [smem:$0x3FFB];
	_ =	sdelay $0x3  }
0x93: {  	_ =	strace s4  }
0x94: {  	s4 =	sld [smem:$0x3FFC];
	_ =	sdelay $0x3  }
0x95: {  	_ =	strace s4  }
0x96: {  	s4 =	sld [smem:$0x3FFD];
	_ =	sdelay $0x3  }
0x97: {  	_ =	strace s4  }
0x98: {  	_ =	strace $0x8FFFFFFF  }
0x99: {  	s19 =	sld [smem:$0x3FDB];
	_ =	sdelay $0x1  }
0x9a: {  	s5 =	simm.s32 $_scs_section_size  }
0x9b: {  	s6 =	simm.s32 $_size__tile_overlayer_lowered;
	s7 =	simm.s32 $_tile_overlayer_lowered  }
0x9c: {  	s22 =	simm.s32 $0x1BFF;
	s21 =	sshll.u32 s7, $0x1;
	s4 =	sadd.s32 s5, s19  }
0x9d: {  	s8 =	simm.s32 $0x0;
	s20 =	sshll.u32 s6, $0x1;
	s6 =	sadd.s32 s21, s4  }
0x9e: {  	[timem:s8], [sflag:s22] =	dma.local [hbm:s6], s20  }
0x9f: {  	_ =	swait.ge [sflag:s22], s20  }
0xa0: {  	s5 =	ssub.s32 $0x0, s20;
	[sflag:s22] =	ssyncset.done $0x0  }
0xa1: {  	[sflag:s22] =	ssyncadd.s32 s5;
	_ =	sdelay $0x1  }
0xa2: {  	s23 =	simm.s32 $0x1B8B  }
0xa3: {  	_ =	swait.ge [sflag:s23], $0x1  }
0xa4: {  	[sflag:s23] =	ssyncset.done $0x0  }
0xa5: {  	s25 =	simm.s32 $0x1B8E;
	s24 =	sld [smem:$0x3FFE];
	[sflag:s23] =	ssyncadd.s32 $0xFFFFFFFF  }
0xa6: {  	s26 =	simm.s32 $execute0_lowered;
	[smem:$0x3FD2] =	sst s25  }
0xa7: {  	s6 =	sshll.u32 s26, $0x1;
	_ =	strace $0x80000046;
	[dreg:$0x1] =	wrdreg $0xFFFFFFFF  }
0xa8: {  	s28 =	simm.s32 $_size_execute0_lowered;
	s4 =	sadd.s32 s4, s6;
	[dreg:$0x0] =	wrdreg $0x0  }
0xa9: {  	s6 =	sshll.u32 s28, $0x1;
	[dreg:$0x2] =	wrdreg s4  }
0xaa: {  	[dreg:$0x3] =	wrdreg s6  }
0xab: {  	[dreg:$0x4] =	wrdreg $0xC0  }
0xac: {  	_ =	task [dreg:s8], $0x5FFFF  }
0xad: {  	[dreg:$0x1] =	wrdreg $0xFFFFFFFF  }
0xae: {  	[dreg:$0x0] =	wrdreg $0x60  }
0xaf: {  	[dreg:$0x2] =	wrdreg s2  }
0xb0: {  	[dreg:$0x3] =	wrdreg s18  }
0xb1: {  	[dreg:$0x4] =	wrdreg s24  }
0xb2: {  	[dreg:$0x5] =	wrdreg $0xA0000  }
0xb3: {  	[dreg:$0x6] =	wrdreg $0x9  }
0xb4: {  	_ =	task.clear_ibuf [dreg:s8], $0x7FFFF;
	_ =	strace $0x90000046  }
0xb5: {  	s29 =	simm.s32 $0x9;
	_ =	strace $0x80000048  }
0xb6: {  	_ =	swait.ge [sflag:s29], $0x1  }
0xb7: {  	[sflag:s29] =	ssyncadd.s32 $0xFFFFFFFF  }
0xb8: {  	_ =	strace $0x90000048  }
0xb9: {  	_ =	sfence  }
0xba: {  	s30 =	sld [smem:$0x0];
	_ =	sdelay $0x2  }
0xbb: {  	s31 =	sshll.u32 s1, $0xD;
	s1 =	sshrl.u32 s1, $0x2  }
0xbc: {  	s3 =	sand.u32 $0x4000, s31;
	s1 =	sadd.s32 s1, s30  }
0xbd: {  	s0 =	sor.u32 s3, s0;
	s1 =	sshll.u32 s1, $0x11  }
0xbe: {  	s0 =	sor.u32 s1, s0  }
0xbf: {  	s0 =	sadd.s32 $0x8F2B, s0  }
0xc0: {  	[sflag:s0] =	ssyncadd.remote.s32 $0x1  }
0xc1: {  	_ =	sfence.sel $0xFFFF  }
0xc2: {  	[dreg:$0x0] =	wrdreg $0xFFFFFFFF;
	(pc) =	sbr.abs _section_cstart, $3  }
0xc3: {  	[dreg:$0x1] =	wrdreg $0xFFFFFFFF  }
0xc4: {  	_ =	task.clear_ibuf [dreg:s8], $0x2FFFF;
	_ =	strace $0x9FFFFFFF  }
0xc5: {  	(tm) =	ssettm $0x7FFFFFFF  }
tec
execute0_lowered:
.L_overlay_start_1:
0x0: {  	(tag) =	ssettag $0x1  }
0x1: {  	s1 =	rddreg [dreg:$0x0]  }
0x2: {  	s2 =	rddreg [dreg:$0x1]  }
0x3: {  	s0 =	rddreg [dreg:$0x2]  }
0x4: {  	s3 =	rddreg [dreg:$0x3]  }
0x5: {  	s4 =	srdreg.scid;
	s6 =	simm.s32 $0x0;
	s5 =	stileid.u32  }
0x6: {  	s20 =	simm.s32 $0x5;
	s24 =	simm.s32 $0x80;
	s25 =	simm.s32 $0x2000  }
0x7: {  	s26 =	simm.s32 $0x6000;
	s4 =	sand.u32 $0x1, s4;
	s8 =	smul.u32 $0x14000, s5  }
0x8: {  	[smem:$0x7FF] =	sst s6;
	s6 =	sadd.s32 $0x1000, s0;
	s9 =	smul.u32 $0x50000, s5  }
0x9: {  	s12 =	sadd.s32 $0x1A00, s0;
	s16 =	sadd.s32 $0x1500, s0;
	s7 =	smul.u32 $0x140000, s4  }
0xa: {  	_ =	strace $0x80000047;
	s28 =	sshll.u32 s4, $0x4;
	s4 =	ssub.s32 $0x2, s4  }
0xb: {  	[dreg:$0x5] =	wrdreg s12;
	s11 =	sshrl.u32 s4, $0x1;
	s9 =	sshrl.u32 s9, $0x2  }
0xc: {  	s8 =	sadd.s32 s8, s7;
	s7 =	sor.u32 s5, s28;
	s4 =	ssub.s32 s4, s11  }
0xd: {  	s5 =	sshll.u32 s5, $0x6;
	s9 =	sadd.s32 s9, s3;
	s10 =	sshrl.u32 s8, $0x3  }
0xe: {  	s8 =	smul.u32 $0x2800, s7;
	[dreg:$0x6] =	wrdreg s5;
	s5 =	sor.u32 $0x1C04, s5  }
0xf: {  	s4 =	smax.u32 s4, $0x1;
	s9 =	sshrl.u32 s9, $0x3;
	[dreg:$0x7] =	wrdreg s5  }
0x10: {  	s10 =	sadd.s32 s10, s0;
	[dreg:$0xd] =	wrdreg s4;
	s31 =	sshrl.u32 s8, $0x3  }
0x11: {  	[dreg:$0xe] =	wrdreg s9;
	s10 =	sadd.s32 $0x4200, s10;
	s5 =	sadd.s32 s2, s31  }
0x12: {  	p0 =	seq.s32 s7, $0x1F;
	[dreg:$0xc] =	wrdreg s10;
	s12 =	sadd.s32 $0x9C80, s5  }
0x13: {  	s13 =	sadd.s32 $0x100, s5;
	s14 =	sadd.s32 $0x9D80, s5;
	s5 =	smov.u32 @p0 s6  }
0x14: {  	s11 =	sadd.s32 $0x1100, s0;
	[dreg:$0x8] =	wrdreg s5;
	s12 =	smov.u32 @p0 s16  }
0x15: {  	s0 =	sadd.s32 $0x1600, s0;
	s13 =	smov.u32 @p0 s11;
	[dreg:$0x9] =	wrdreg s12  }
0x16: {  	s29 =	simm.s32 $0x1;
	s14 =	smov.u32 @p0 s0;
	[dreg:$0xa] =	wrdreg s13  }
0x17: {  	s30 =	simm.s32 $0x2;
	s4 =	simm.s32 $0x0;
	[dreg:$0xb] =	wrdreg s14  }
.LBB2_1:
0x18: {  	s0 =	rddreg [dreg:$0x5]  }
0x19: {  	s5 =	rddreg [dreg:$0x7]  }
0x1a: {  	[spmem:s9], [sflag:s5] =	dma.local [hbm:s0], $0x2800  }
0x1b: {  	s5 =	simm.s32 $0x0;
	s0 =	rddreg [dreg:$0x8]  }
0x1c: {  	[tilespmem:s5], [sflag:$0x5] =	stream.linear.gather [hbm4b:s0+s5], $0x800, $0x38;
	[tilespmem:$0x1E000] =	vst v63  }
0x1d: {  	_ =	swait.ge [sflag:s20], $0x800  }
0x1e: {  	[sflag:s20] =	ssyncset.done $0x0  }
0x1f: {  	s22 =	simm.s32 $0x800;
	s21 =	rddreg [dreg:$0x9];
	[sflag:s20] =	ssyncadd.s32 $0xFFFFF800  }
0x20: {  	[tilespmem:s22], [sflag:$0x5] =	stream.linear.gather [hbm4b:s21+s5], $0x800, $0x38;
	[tilespmem:$0x1E000] =	vst v63  }
0x21: {  	_ =	swait.ge [sflag:s20], $0x800  }
0x22: {  	[sflag:s20] =	ssyncset.done $0x0  }
0x23: {  	s28 =	simm.s32 $0x1000;
	s23 =	rddreg [dreg:$0xa];
	[sflag:s20] =	ssyncadd.s32 $0xFFFFF800  }
0x24: {  	[tilespmem:s28], [sflag:$0x3] =	stream.linear.gather [hbm4b:s23+s5], $0x800, $0x38;
	[tilespmem:$0x1E000] =	vst v63  }
0x25: {  	s11 =	simm.s32 $0x1800;
	s10 =	rddreg [dreg:$0xb]  }
0x26: {  	[tilespmem:s11], [sflag:$0x3] =	stream.linear.gather [hbm4b:s10+s5], $0x800, $0x38;
	[tilespmem:$0x1E000] =	vst v63  }
0x27: {  	_ = 	snop  }
0x28: {  	[tilespmem:s25], [sflag:$0x1] =	stream.indirect.gather [hbm4b:s1+s24], $0x80, s5, s24, $0xb8;
	[tilespmem:$0x1E000] =	vst v63  }
0x29: {  	s12 =	simm.s32 $0x4;
	s13 =	simm.s32 $0x0;
	s31 =	simm.s32 $0x100  }
0x2a: {  	[tilespmem:s26], [sflag:$0x2] =	stream.indirect.gather [hbm4b:s1+s24], $0x80, s24, s24, $0xb8;
	[tilespmem:$0x1E000] =	vst v63  }
0x2b: {  	p1 =	por $0x0, $0x0;
	s0 =	sand.u32 $0xE, s5;
	_ =	swait.ge [sflag:s12], $0x2800  }
0x2c: {  	s19 =	sand.u32 $0x700, s5;
	p0 =	sne.s32 s0, $0xE;
	[sflag:s12] =	ssyncset.done $0x0  }
0x2d: {  	s14 =	sshll.u32 s0, $0x7;
	p2 =	sne.s32 @!p1 s0, $0xE;
	[sflag:s12] =	ssyncadd.s32 $0xFFFFD800  }
0x2e: {  	s21 =	sand.u32 $0x1000, s13;
	s10 =	simm.s32 @!p0 $0x3;
	[bflag:$0x0] =	sbarrier.arrive $0xFFFF  }
0x2f: {  	s22 =	simm.s32 $0x1;
	s9 =	sor.u32 s14, s21;
	_ =	swait.ge @!p0 [sflag:s10], $0x1000  }
0x30: {  	s17 =	sor.u32 $0x800, s9;
	s23 =	simm.s32 $0x200;
	[sflag:s10] =	ssyncset.done @!p0 $0x0  }
0x31: {  	s28 =	sand.u32 $0x1000, s5;
	s15 =	sand.u32 $0x1000, s23;
	[sflag:s10] =	ssyncadd.s32 @!p0 $0xFFFFF000  }
0x32: {  	s9 =	sor.u32 s19, s28;
	s11 =	sand.u32 $0x700, s31;
	_ =	swait.ge [sflag:s29], $0x4000  }
0x33: {  	s18 =	sor.u32 s11, s15;
	s11 =	simm.s32 $0x2;
	[sflag:s29] =	ssyncset.done $0x0  }
0x34: {  	p0 =	por p2, p1;
	s10 =	simm.s32 $0x180;
	[sflag:s29] =	ssyncadd.s32 $0xFFFFC000  }
0x35: {  	[spmem:s3] =	stream.indirect.scatter.add.f32 [tilespmem:s25], [sflag:$0x5], $0x80, s17, s24, $0xb8;
	[tilespmem:$0x1E000] =	vst v63  }
0x36: {  	p3 =	seq.s32 @!p0 s7, $0x1F;
	s0 =	sadd.s32 @!p0 $0x800, s21;
	_ =	swait.ge [sflag:s20], $0x4000  }
0x37: {  	p4 =	por @!p1 !p3, p2;
	p3 =	por @!p1 p3, p2;
	[sflag:s20] =	ssyncset.done $0x0  }
0x38: {  	p2 =	por p4, p1;
	p3 =	por p3, p1;
	[sflag:s20] =	ssyncadd.s32 $0xFFFFC000  }
0x39: {  	[tilespmem:s25], [sflag:$0x1] =	stream.indirect.gather [hbm4b:s1+s24], $0x80, s18, s24, $0xb8;
	[tilespmem:$0x1E000] =	vst v63  }
0x3a: {  	p4 =	por !p4, p1;
	s13 =	sadd.s32 @!p2 $0x200, s6;
	_ =	swait.ge [sflag:s30], $0x4000  }
0x3b: {  	s14 =	sadd.s32 @!p2 $0x200, s16;
	s17 =	sor.u32 $0x880, s9;
	[sflag:s30] =	ssyncset.done $0x0  }
0x3c: {  	s9 =	simm.s32 $0x0;
	s18 =	sadd.s32 @!p3 $0x1000, s8;
	[sflag:s30] =	ssyncadd.s32 $0xFFFFC000  }
.LBB2_2:
0x3d: {  	[spmem:s3] =	stream.indirect.scatter.add.f32 [tilespmem:s26], [sflag:$0x5], $0x80, s17, s24, $0xb8;
	[tilespmem:$0x1E000] =	vst v63  }
0x3e: {  	s15 =	smov.u32 s22;
	s17 =	smov.u32 s31  }
0x3f: {  	s12 =	simm.s32 @!p2 $0x0;
	s18 =	sshrl.u32 @!p3 s18, $0x3;
	_ =	swait.ge [sflag:s20], $0x4000  }
0x40: {  	s19 =	simm.s32 @!p3 $0x0;
	s28 =	sadd.s32 @!p3 s2, s18;
	[sflag:s20] =	ssyncset.done $0x0  }
0x41: {  	s18 =	sshrl.u32 s22, $0x3;
	s5 =	sadd.s32 @!p3 $0x9C80, s28;
	[sflag:s20] =	ssyncadd.s32 $0xFFFFC000  }
0x42: {  	[tilespmem:s21], [sflag:$0x3] =	stream.linear.gather @!p2 [hbm4b:s13+s12], $0x800, $0x38;
	[tilespmem:$0x1E000] =	vst v63  }
0x43: {  	s22 =	sadd.s32 $0x1, s22;
	s5 =	smov.u32 @p4 s14;
	s12 =	sshll.u32 s18, $0xC  }
0x44: {  	[tilespmem:s21], [sflag:$0x3] =	stream.linear.gather @!p3 [hbm4b:s28+s19], $0x800, $0x38;
	[tilespmem:$0x1E000] =	vst v63  }
0x45: {  	p1 =	sne.s32 s22, $0x27;
	s13 =	sand.u32 $0xE, s11;
	s21 =	sand.u32 $0x1000, s12  }
0x46: {  	s9 =	sadd.s32 $0x300, s9;
	s14 =	simm.s32 @!p0 $0x0;
	s12 =	sshll.u32 s13, $0x7  }
0x47: {  	s10 =	sand.u32 $0x780, s10;
	s9 =	sand.u32 $0x1000, s9;
	s12 =	sor.u32 s12, s21  }
0x48: {  	s10 =	sor.u32 s10, s9;
	s9 =	smov.u32 s23;
	p2 =	sne.s32 s13, $0xE  }
0x49: {  	[tilespmem:s0], [sflag:$0x3] =	stream.linear.gather @!p0 [hbm4b:s5+s14], $0x800, $0x38;
	[tilespmem:$0x1E000] =	vst v63  }
0x4a: {  	s31 =	sadd.s32 $0x100, s31;
	s23 =	sadd.s32 $0x200, s23;
	s0 =	simm.s32 @!p2 $0x3  }
0x4b: {  	[tilespmem:s26], [sflag:$0x2] =	stream.indirect.gather [hbm4b:s1+s24], $0x80, s10, s24, $0xb8;
	[tilespmem:$0x1E000] =	vst v63  }
0x4c: {  	s5 =	sand.u32 $0x1000, s23;
	s10 =	sand.u32 $0x700, s31;
	_ =	swait.ge @!p2 [sflag:s0], $0x1000  }
0x4d: {  	s5 =	sor.u32 s10, s5;
	[sflag:s0] =	ssyncset.done @!p2 $0x0  }
0x4e: {  	p4 =	sgt.u32 s15, $0x17;
	[sflag:s0] =	ssyncadd.s32 @!p2 $0xFFFFF000  }
0x4f: {  	s10 =	sor.u32 $0x800, s12;
	p2 =	sne.s32 @!p4 s13, $0xE;
	_ =	swait.ge [sflag:s29], $0x4000  }
0x50: {  	s12 =	sadd.s32 $0x2, s18;
	p0 =	por p2, p4;
	[sflag:s29] =	ssyncset.done $0x0  }
0x51: {  	p3 =	seq.s32 @!p0 s7, $0x1F;
	s0 =	sadd.s32 @!p0 $0x800, s21;
	[sflag:s29] =	ssyncadd.s32 $0xFFFFC000  }
0x52: {  	[spmem:s3] =	stream.indirect.scatter.add.f32 [tilespmem:s25], [sflag:$0x5], $0x80, s10, s24, $0xb8;
	[tilespmem:$0x1E000] =	vst v63  }
0x53: {  	p5 =	por @!p4 !p3, p2;
	p3 =	por @!p4 p3, p2;
	_ =	swait.ge [sflag:s20], $0x4000  }
0x54: {  	s10 =	sadd.s32 $0x180, s17;
	p2 =	por p5, p4;
	[sflag:s20] =	ssyncset.done $0x0  }
0x55: {  	s14 =	sshll.u32 @!p2 s12, $0x8;
	[sflag:s20] =	ssyncadd.s32 $0xFFFFC000  }
0x56: {  	[tilespmem:s25], [sflag:$0x1] =	stream.indirect.gather [hbm4b:s1+s24], $0x80, s5, s24, $0xb8;
	[tilespmem:$0x1E000] =	vst v63  }
.Ltmp0:
0x57: {  	s5 =	sand.u32 $0x700, s17;
	_ =	swait.ge [sflag:s30], $0x4000;
	(pc) =	sbr.rel @p1 .LBB2_2-.Ltmp0, $4  }
0x58: {  	p3 =	por p3, p4;
	s13 =	sadd.s32 @!p2 s6, s14;
	[sflag:s30] =	ssyncset.done $0x0  }
0x59: {  	s15 =	sand.u32 $0x1000, s9;
	s14 =	sadd.s32 @!p2 s14, s16;
	[sflag:s30] =	ssyncadd.s32 $0xFFFFC000  }
0x5a: {  	s11 =	sadd.s32 $0x2, s11;
	s12 =	sshll.u32 @!p3 s12, $0xB;
	s5 =	sor.u32 s5, s15  }
0x5b: {  	p4 =	por !p5, p4;
	s18 =	sadd.s32 @!p3 s8, s12;
	s17 =	sor.u32 $0x880, s5  }
0x5c: {  	[spmem:s3] =	stream.indirect.scatter.add.f32 [tilespmem:s26], [sflag:$0x5], $0x80, s17, s24, $0xb8;
	[tilespmem:$0x1E000] =	vst v63  }
0x5d: {  	_ =	swait.ge [sflag:s20], $0x4000  }
0x5e: {  	s5 =	sshrl.u32 @!p3 s18, $0x3;
	s11 =	simm.s32 @!p2 $0x0;
	[sflag:s20] =	ssyncset.done $0x0  }
0x5f: {  	s18 =	sadd.s32 $0x300, s9;
	s5 =	sadd.s32 @!p3 s2, s5;
	[sflag:s20] =	ssyncadd.s32 $0xFFFFC000  }
0x60: {  	[tilespmem:s21], [sflag:$0x3] =	stream.linear.gather @!p2 [hbm4b:s13+s11], $0x800, $0x38;
	[tilespmem:$0x1E000] =	vst v63  }
0x61: {  	s9 =	simm.s32 @!p0 $0x0;
	s12 =	sadd.s32 @!p3 $0x9C80, s5;
	s11 =	simm.s32 @!p3 $0x0  }
0x62: {  	[tilespmem:s21], [sflag:$0x3] =	stream.linear.gather @!p3 [hbm4b:s5+s11], $0x800, $0x38;
	[tilespmem:$0x1E000] =	vst v63  }
0x63: {  	s10 =	sand.u32 $0x780, s10;
	s12 =	smov.u32 @p4 s14;
	s5 =	sand.u32 $0x1000, s18  }
0x64: {  	[tilespmem:s0], [sflag:$0x3] =	stream.linear.gather @!p0 [hbm4b:s12+s9], $0x800, $0x38;
	[tilespmem:$0x1E000] =	vst v63  }
0x65: {  	s19 =	sor.u32 s10, s5  }
0x66: {  	[tilespmem:s26], [sflag:$0x2] =	stream.indirect.gather [hbm4b:s1+s24], $0x80, s19, s24, $0xb8;
	[tilespmem:$0x1E000] =	vst v63  }
0x67: {  	_ =	swait.ge [sflag:s29], $0x4000  }
0x68: {  	[sflag:s29] =	ssyncset.done $0x0  }
0x69: {  	s21 =	simm.s32 $0xF00;
	[sflag:s29] =	ssyncadd.s32 $0xFFFFC000  }
0x6a: {  	[spmem:s3] =	stream.indirect.scatter.add.f32 [tilespmem:s25], [sflag:$0x5], $0x80, s21, s24, $0xb8;
	[tilespmem:$0x1E000] =	vst v63  }
0x6b: {  	_ =	swait.ge [sflag:s20], $0x4000  }
0x6c: {  	[sflag:s20] =	ssyncset.done $0x0  }
0x6d: {  	[sflag:s20] =	ssyncadd.s32 $0xFFFFC000  }
0x6e: {  	_ =	swait.ge [sflag:s30], $0x4000  }
0x6f: {  	[sflag:s30] =	ssyncset.done $0x0  }
0x70: {  	s22 =	simm.s32 $0xF80;
	[sflag:s30] =	ssyncadd.s32 $0xFFFFC000  }
0x71: {  	[spmem:s3] =	stream.indirect.scatter.add.f32 [tilespmem:s26], [sflag:$0x5], $0x80, s22, s24, $0xb8;
	[tilespmem:$0x1E000] =	vst v63  }
0x72: {  	_ =	swait.ge [sflag:s20], $0x4000  }
0x73: {  	[sflag:s20] =	ssyncset.done $0x0  }
0x74: {  	[sflag:s20] =	ssyncadd.s32 $0xFFFFC000  }
0x75: {  	[bflag:$0x0] =	sbarrier.arrive $0xFFFF  }
0x76: {  	s23 =	rddreg [dreg:$0x6]  }
0x77: {  	s28 =	rddreg [dreg:$0xc]  }
0x78: {  	s9 =	rddreg [dreg:$0xe];
	s0 =	sor.u32 $0x1C05, s23  }
0x79: {  	[hbm:s28], [sflag:s0] =	dma.local [spmem:s9], $0x2800  }
0x7a: {  	_ =	swait.ge [sflag:s20], $0x2800  }
0x7b: {  	s4 =	sadd.s32 $0x1, s4;
	s31 =	rddreg [dreg:$0xd]  }
0x7c: {  	p0 =	sne.s32 s4, s31  }
.Ltmp1:
0x7d: {  	_ = 	snop;
	(pc) =	sbr.rel @p0 .LBB2_1-.Ltmp1, $3  }
0x7e: {  	_ =	sdelay $0x1  }
0x7f: {  	[sflag:s20] =	ssyncset.done $0x0  }
0x80: {  	[sflag:s20] =	ssyncadd.s32 $0xFFFFD800  }
0x81: {  	_ =	sfence.sel $0x180000  }
0x82: {  	[bflag:$0x0] =	sbarrier.arrive $0xFFFF  }
0x83: {  	_ =	strace $0x90000047  }
0x84: {  	s0 =	stileid.u32;
	[bflag:$0x2] =	sbarrier.arrive $0xFFFF  }
0x85: {  	p0 =	sne.s32 s0, $0x0;
	s0 =	rddreg [dreg:$0x4]  }
0x86: {  	s0 =	sadd.s32 @!p0 $0x100000, s0  }
0x87: {  	[sflag:s0] =	ssyncadd.tile.s32 @!p0 $0x1;
	_ =	shalt  }
.Lfunc_end2:
_tile_overlayer_lowered:
.L_overlay_start_2:
0x88: {  	(tag) =	ssettag $0x2  }
0x89: {  	s0 =	rddreg [dreg:$0x0];
	s2 =	stileid.u32  }
0x8a: {  	s1 =	rddreg [dreg:$0x1];
	p0 =	sne.s32 s2, $0x0  }
0x8b: {  	s3 =	rddreg [dreg:$0x2];
	[bflag:$0x3] =	sbarrier.arrive $0xFFFF;
	s2 =	simm.s32 @!p0 $0x1C05  }
0x8c: {  	[timem:s3], [sflag:s2] =	dma.local @!p0 [hbm:s0], s1  }
0x8d: {  	s0 =	simm.s32 @!p0 $0x5  }
0x8e: {  	_ =	swait.ge @!p0 [sflag:s0], s1  }
0x8f: {  	s1 =	ssub.s32 @!p0 $0x0, s1;
	[sflag:s0] =	ssyncset.done @!p0 $0x0  }
0x90: {  	[sflag:s0] =	ssyncadd.s32 @!p0 s1  }
0x91: {  	[bflag:$0x3] =	sbarrier.arrive $0xFFFF  }
0x92: {  	_ =	shalt  }

</sc_bundles>
